<compile_context>
chip_gen: v7x
topology: tpu7x:2x2x1
jax: 0.10.2.dev20260603
libtpu: 0.0.44.dev20260713+nightly
codegen_flags: <defaults>
</compile_context>

<pallas_src>
import functools

import jax
import jax.numpy as jnp
import numpy as np
from jax import lax
from jax.experimental import pallas as pl
from jax.experimental.pallas import tpu as pltpu
from jax.experimental.pallas import tpu_sc as plsc

N = 50000
H = 16
KP = 15
CIN = 64
COUT = 64
KP_EXTENT = 1.2

T = 128
NPAD = 50176
B = NPAD * H
BH = B // 2
NH = NPAD // 2
NW = 32
PER_W = BH // NW
CH = 448
NCHUNK = PER_W // CH


_SEL = np.zeros((8, 128, 1024), np.float32)
for _j in range(8):
    for _u in range(2):
        for _a in range(8):
            _SEL[_j, 16 * _a + (2 * _j + _u),
                 512 * _u + 64 * _a : 512 * _u + 64 * _a + 64] = 1.0

_R = np.zeros((256, 128), np.float32)
for _r in range(256):
    _R[_r, _r // 2] = 1.0
_T8 = np.zeros((16, 128), np.float32)
for _g in range(8):
    for _j in range(16):
        _T8[_j, 16 * _g + _j] = 1.0


def _blockdiag(block, n):
    m = np.zeros((block.shape[0] * n, block.shape[1] * n), np.float32)
    for i in range(n):
        m[i * block.shape[0] : (i + 1) * block.shape[0],
          i * block.shape[1] : (i + 1) * block.shape[1]] = block
    return m


_ONESBD16 = _blockdiag(np.ones((16, 16), np.float32), 8)


def _sc_gather_body(xpad, spad, idx, outf, outc,
                    idx0, idx1, rf0, rf1, rc0, rc1,
                    gf0, gf1, gc0, gc1, sf0, sf1, sc0, sc1):
    wid = lax.axis_index("s") * 2 + lax.axis_index("c")
    wbase = wid * PER_W

    idx_v = (idx0, idx1)
    rf = (rf0, rf1)
    rc = (rc0, rc1)
    gfs = (gf0, gf1)
    gcs = (gc0, gc1)
    sfs = (sf0, sf1)
    scs = (sc0, sc1)

    def start_gather(j, b):
        pltpu.sync_copy(idx.at[pl.ds(wbase + j * CH, CH)], idx_v[b])
        pltpu.async_copy(xpad.at[idx_v[b]], rf[b], gfs[b])
        pltpu.async_copy(spad.at[idx_v[b]], rc[b], gcs[b])

    def wait_gather(b):
        pltpu.make_async_copy(xpad.at[idx_v[b]], rf[b], gfs[b]).wait()
        pltpu.make_async_copy(spad.at[idx_v[b]], rc[b], gcs[b]).wait()

    def start_store(j, b):
        pltpu.async_copy(rf[b], outf.at[pl.ds(wbase + j * CH, CH)], sfs[b])
        pltpu.async_copy(rc[b], outc.at[pl.ds(wbase + j * CH, CH)], scs[b])

    def wait_store(b):
        pltpu.make_async_copy(rf[b], outf.at[pl.ds(0, CH)], sfs[b]).wait()
        pltpu.make_async_copy(rc[b], outc.at[pl.ds(0, CH)], scs[b]).wait()

    start_gather(0, 0)

    def body(jj, carry):
        a = 2 * jj + 1
        b2 = 2 * jj + 2

        @pl.when(jj >= 1)
        def _():
            wait_store(1)

        start_gather(a, 1)
        wait_gather(0)
        start_store(2 * jj, 0)
        wait_store(0)
        start_gather(b2, 0)
        wait_gather(1)
        start_store(a, 1)
        return carry

    lax.fori_loop(0, (NCHUNK - 2) // 2, body, 0)

    wait_store(1)
    start_gather(NCHUNK - 1, 1)
    wait_gather(0)
    start_store(NCHUNK - 2, 0)
    wait_gather(1)
    start_store(NCHUNK - 1, 1)
    wait_store(0)
    wait_store(1)


@functools.cache
def _sc_gather():
    return pl.kernel(
        _sc_gather_body,
        out_type=[
            jax.ShapeDtypeStruct((BH, CIN), jnp.float32),
            jax.ShapeDtypeStruct((BH, 16), jnp.float32),
        ],
        mesh=plsc.VectorSubcoreMesh(
            core_axis_name="c", subcore_axis_name="s", num_cores=2, num_subcores=16
        ),
        scratch_types=[
            pltpu.VMEM((CH,), jnp.int32),
            pltpu.VMEM((CH,), jnp.int32),
            pltpu.VMEM((CH, CIN), jnp.float32),
            pltpu.VMEM((CH, CIN), jnp.float32),
            pltpu.VMEM((CH, 16), jnp.float32),
            pltpu.VMEM((CH, 16), jnp.float32),
        ] + [pltpu.SemaphoreType.DMA] * 8,
        compiler_params=pltpu.CompilerParams(use_tc_tiling_on_sc=False),
    )


def _tc_body(q_ref, gf_ref, gc_ref, kptbd_ref, obd16_ref,
             r_ref, t8_ref, sel_ref, ws2_ref, o_ref):
    HI = jax.lax.Precision.HIGHEST
    f32 = jnp.float32
    RQ = T * H // 8
    F8 = gf_ref[:]
    Cp = gc_ref[:]
    q = q_ref[:]

    qw = jnp.dot(q, t8_ref[:], preferred_element_type=f32, precision=HI)
    qrep = jnp.dot(r_ref[:], qw, preferred_element_type=f32, precision=HI)
    dp = Cp - qrep
    sb = jnp.dot(dp * dp, obd16_ref[:], preferred_element_type=f32,
                 precision=HI)
    kptbd = kptbd_ref[:]
    dk = jnp.dot(dp, kptbd, preferred_element_type=f32, precision=HI)
    kpn2 = jnp.sum(kptbd * kptbd, axis=0, keepdims=True)
    d2 = jnp.maximum(sb - 2.0 * dk + kpn2, 0.0)
    Ap = jnp.maximum(1.0 - jnp.sqrt(d2) * (1.0 / KP_EXTENT), 0.0)
    Apb = Ap.astype(jnp.bfloat16)

    F8b = F8.astype(jnp.bfloat16)
    Fd = jnp.concatenate([F8b, F8b], axis=1)
    S = jnp.zeros((RQ, COUT), dtype=f32)
    for j in range(8):
        A4 = jnp.dot(Apb, sel_ref[j],
                     preferred_element_type=f32).astype(jnp.bfloat16)
        S = S + jnp.dot(A4 * Fd, ws2_ref[j], preferred_element_type=f32)
    outp = S.reshape(T, 2, COUT).sum(axis=1)

    cnt1 = jnp.zeros((RQ, 1), dtype=f32)
    for a in range(8):
        fs = jnp.sum(F8[:, 64 * a : 64 * (a + 1)], axis=1, keepdims=True)
        cnt1 = cnt1 + (fs > 0.0).astype(f32)
    cntp = cnt1.reshape(T, 2, 1).sum(axis=1)
    o_ref[:] = outp / jnp.maximum(cntp, 1.0)


def _tc_call(qp, gf2, gc8, kptbd, obd16, rmat, t8, sel, ws2):
    grid = (NH // T,)
    return pl.pallas_call(
        _tc_body,
        grid=grid,
        in_specs=[
            pl.BlockSpec((T, 16), lambda i: (i, 0)),
            pl.BlockSpec((T * H // 8, 8 * CIN), lambda i: (i, 0)),
            pl.BlockSpec((T * H // 8, 128), lambda i: (i, 0)),
            pl.BlockSpec((128, 128), lambda i: (0, 0)),
            pl.BlockSpec((128, 128), lambda i: (0, 0)),
            pl.BlockSpec((256, 128), lambda i: (0, 0)),
            pl.BlockSpec((16, 128), lambda i: (0, 0)),
            pl.BlockSpec((8, 128, 1024), lambda i: (0, 0, 0)),
            pl.BlockSpec((8, 1024, COUT), lambda i: (0, 0, 0)),
        ],
        out_specs=pl.BlockSpec((T, COUT), lambda i: (i, 0)),
        out_shape=jax.ShapeDtypeStruct((NH, COUT), jnp.float32),
    )(qp, gf2, gc8, kptbd, obd16, rmat, t8, sel, ws2)


@jax.jit
def kernel(q_pts, s_pts, neighb_inds, x, kernel_points, weights):
    xpad = jnp.concatenate([x, jnp.zeros((1, CIN), jnp.float32)], axis=0)
    spad = jnp.zeros((N + 1, 16), jnp.float32)
    spad = spad.at[:N, :3].set(s_pts)
    spad = spad.at[N].set(1e6)
    idx = jnp.full((NPAD, H), N, jnp.int32)
    idx = idx.at[:N].set(neighb_inds).reshape(-1)
    qp = jnp.zeros((NPAD, 16), jnp.float32).at[:N, :3].set(q_pts)
    kpt16 = jnp.zeros((16, 16), jnp.float32).at[:3, :15].set(kernel_points.T)
    kptbd = jax.scipy.linalg.block_diag(*([kpt16] * 8))
    sel = jnp.asarray(_SEL).astype(jnp.bfloat16)
    wpad = jnp.concatenate(
        [weights, jnp.zeros((1, CIN, COUT), jnp.float32)], axis=0
    )
    ws2 = jnp.repeat(
        wpad.reshape(8, 2, 1, CIN, COUT), 8, axis=2
    ).reshape(8, 16 * CIN, COUT).astype(jnp.bfloat16)

    consts = (kptbd, jnp.asarray(_ONESBD16), jnp.asarray(_R),
              jnp.asarray(_T8), sel, ws2)
    outs = []
    for hfi in range(2):
        idx_h = lax.dynamic_slice_in_dim(idx, hfi * BH, BH)
        qp_h = lax.dynamic_slice_in_dim(qp, hfi * NH, NH)
        gf, gc = _sc_gather()(xpad, spad, idx_h)
        gf8 = jnp.reshape(gf, (BH // 8, 8 * CIN))
        gc8 = jnp.reshape(gc, (BH // 8, 128))
        outs.append(_tc_call(qp_h, gf8, gc8, *consts))
    out = jnp.concatenate(outs, axis=0)
    return out[:N]

# --- scband reference (transcript-rebuilt; emitter-appended) ---
"""Pipeline reference for scband-kpconv-5669356831309 (READ-ONLY COPY).

The authoritative reference and input builder live on the scoring server;
editing this copy changes nothing except your own understanding.
"""

import jax, jax.numpy as jnp
import numpy as np

N = 50000
NEIGH = 16
K = 15
P_DIM = 3
IN_C = 64
OUT_C = 64
KP_EXTENT = 1.2
RADIUS = 2.5


def setup_inputs(seed: int = 0) -> dict:
    key = jax.random.key(seed)
    k1, k2, k3, k4, k5, k6, k7 = jax.random.split(key, 7)
    q_pts = jax.random.uniform(k1, (N, P_DIM), dtype=jnp.float32)
    s_pts = jax.random.uniform(k2, (N, P_DIM), dtype=jnp.float32)
    neighb_inds = jax.random.randint(k3, (N, NEIGH), 0, N, dtype=jnp.int32)
    x = jax.random.normal(k4, (N, IN_C), dtype=jnp.float32)
    # kernel points: fixed='center' -> first point at origin, rest in ball of radius ~0.66*RADIUS
    dirs = jax.random.normal(k5, (K, P_DIM), dtype=jnp.float32)
    dirs = dirs / (jnp.linalg.norm(dirs, axis=1, keepdims=True) + 1e-6)
    radii = jax.random.uniform(k6, (K, 1), dtype=jnp.float32) ** (1.0 / 3.0)
    kernel_points = dirs * radii * (RADIUS * 0.66)
    kernel_points = kernel_points.at[0].set(0.0)
    # kaiming-uniform-like conv weights [K, IN_C, OUT_C]
    bound = 1.0 / np.sqrt(IN_C * K)
    weights = jax.random.uniform(k7, (K, IN_C, OUT_C), dtype=jnp.float32, minval=-bound, maxval=bound)
    return {"q_pts": q_pts, "s_pts": s_pts, "neighb_inds": neighb_inds, "x": x, "kernel_points": kernel_points, "weights": weights}


def reference(q_pts, s_pts, neighb_inds, x, kernel_points, weights):
    # Add a fake shadow point far away (index N refers to it)
    s_pts_pad = jnp.concatenate([s_pts, jnp.full((1, s_pts.shape[1]), 1e6, dtype=s_pts.dtype)], axis=0)
    # Gather neighbor coords: [N, H, 3]
    neighbors = jnp.take(s_pts_pad, neighb_inds, axis=0)
    # Center on query points
    neighbors = neighbors - q_pts[:, None, :]
    # Differences to kernel points: [N, H, K, 3]
    differences = neighbors[:, :, None, :] - kernel_points[None, None, :, :]
    sq_distances = jnp.sum(differences ** 2, axis=-1)  # [N, H, K]
    # KP_influence == 'linear'
    all_weights = jnp.clip(1.0 - jnp.sqrt(sq_distances) / KP_EXTENT, 0.0, None)
    all_weights = jnp.transpose(all_weights, (0, 2, 1))  # [N, K, H]
    # aggregation_mode == 'sum' (no closest-kernel masking)
    # Add shadow feature row of zeros
    x_pad = jnp.concatenate([x, jnp.zeros((1, x.shape[1]), dtype=x.dtype)], axis=0)
    neighb_x = jnp.take(x_pad, neighb_inds, axis=0)  # [N, H, Cin]
    weighted_features = jnp.matmul(all_weights, neighb_x)  # [N, K, Cin]
    weighted_features = jnp.transpose(weighted_features, (1, 0, 2))  # [K, N, Cin]
    kernel_outputs = jnp.matmul(weighted_features, weights)  # [K, N, Cout]
    output = jnp.sum(kernel_outputs, axis=0)  # [N, Cout]
    # density normalization over valid (non-shadow) neighbors
    neighbor_features_sum = jnp.sum(neighb_x, axis=-1)  # [N, H]
    neighbor_num = jnp.sum((neighbor_features_sum > 0.0).astype(output.dtype), axis=-1)
    neighbor_num = jnp.maximum(neighbor_num, 1.0)
    return output / neighbor_num[:, None]


if False:  # reference __main__ guard neutralized (emitter)
    out = reference(**setup_inputs())
    print(out.shape, out.dtype)

if __name__ == "__main__":
    import jax
    _d = setup_inputs()
    print(jax.jit(kernel)(*tuple(_d.values())))

</pallas_src>

<mosaic_0001>
#map = affine_map<(d0, d1) -> (0, 0)>
#map1 = affine_map<(d0, d1) -> (0)>
module attributes {stable_mosaic.version = 14 : i64} {
  func.func @_sc_gather_body(%arg0: i32, %arg1: i32, %arg2: memref<50001x64xf32, #tpu.memory_space<hbm>>, %arg3: memref<50001x16xf32, #tpu.memory_space<hbm>>, %arg4: memref<401408xi32, #tpu.memory_space<hbm>>, %arg5: memref<401408x64xf32, #tpu.memory_space<hbm>>, %arg6: memref<401408x16xf32, #tpu.memory_space<hbm>>, %arg7: memref<448xi32, #tpu.memory_space<vmem>>, %arg8: memref<448xi32, #tpu.memory_space<vmem>>, %arg9: memref<448x64xf32, #tpu.memory_space<vmem>>, %arg10: memref<448x64xf32, #tpu.memory_space<vmem>>, %arg11: memref<448x16xf32, #tpu.memory_space<vmem>>, %arg12: memref<448x16xf32, #tpu.memory_space<vmem>>, %arg13: memref<!tpu.dma_semaphore, #tpu.memory_space<semaphore_mem>>, %arg14: memref<!tpu.dma_semaphore, #tpu.memory_space<semaphore_mem>>, %arg15: memref<!tpu.dma_semaphore, #tpu.memory_space<semaphore_mem>>, %arg16: memref<!tpu.dma_semaphore, #tpu.memory_space<semaphore_mem>>, %arg17: memref<!tpu.dma_semaphore, #tpu.memory_space<semaphore_mem>>, %arg18: memref<!tpu.dma_semaphore, #tpu.memory_space<semaphore_mem>>, %arg19: memref<!tpu.dma_semaphore, #tpu.memory_space<semaphore_mem>>, %arg20: memref<!tpu.dma_semaphore, #tpu.memory_space<semaphore_mem>>) attributes {dimension_semantics = [#tpu.dimension_semantics<core_parallel>, #tpu.dimension_semantics<subcore_parallel>], iteration_bounds = array<i64: 2, 16>, scalar_prefetch = 0 : i64, scratch_operands = 14 : i64, tpu.core_type = #tpu.core_type<sc_vector_subcore>, window_params = [{transform_indices = #map}, {transform_indices = #map}, {transform_indices = #map1}, {transform_indices = #map}, {transform_indices = #map}]} {
    %mul3A = arith.constant 2 : i32
    %mul3A_0 = arith.muli %arg1, %mul3A : i32
    %add3A = arith.addi %mul3A_0, %arg0 : i32
    %mul3A_1 = arith.constant 12544 : i32
    %mul3A_2 = arith.muli %add3A, %mul3A_1 : i32
    %add3A_3 = arith.constant 0 : i32
    %add3A_4 = arith.addi %mul3A_2, %add3A_3 : i32
    "tpu.region"() ({
      %run_scoped3A = tpu.sem_alloc : memref<!tpu.dma_semaphore, #tpu.memory_space<semaphore_mem>>
      %dma_start3A_94 = tpu.memref_slice %arg4[%add3A_4] : memref<401408xi32, #tpu.memory_space<hbm>> -> memref<448xi32, #tpu.memory_space<hbm>>
      %dma_start3A_95 = tpu.memref_slice %arg4[%add3A_4] : memref<401408xi32, #tpu.memory_space<hbm>> -> memref<448xi32, #tpu.memory_space<hbm>>
      tpu.enqueue_dma source(%dma_start3A_95 : memref<448xi32, #tpu.memory_space<hbm>>) target(%arg7 : memref<448xi32, #tpu.memory_space<vmem>>) target_semaphore(%run_scoped3A : memref<!tpu.dma_semaphore, #tpu.memory_space<semaphore_mem>>)
      %dma_wait3A_96 = tpu.memref_slice %arg4[%add3A_4] : memref<401408xi32, #tpu.memory_space<hbm>> -> memref<448xi32, #tpu.memory_space<hbm>>
      %dma_wait3A_97 = tpu.memref_slice %arg4[%add3A_4] : memref<401408xi32, #tpu.memory_space<hbm>> -> memref<448xi32, #tpu.memory_space<hbm>>
      tpu.wait_dma2 semaphore(%run_scoped3A : memref<!tpu.dma_semaphore, #tpu.memory_space<semaphore_mem>>) src(%dma_wait3A_97 : memref<448xi32, #tpu.memory_space<hbm>>) dst(%arg7 : memref<448xi32, #tpu.memory_space<vmem>>)
      tpu.yield
    }) : () -> ()
    %dma_start3A = arith.constant 0 : i32
    %dma_start3A_5 = arith.constant 0 : i32
    %dma_start3A_6 = tpu.memref_slice %arg2[%dma_start3A, %dma_start3A_5] : memref<50001x64xf32, #tpu.memory_space<hbm>> -> memref<50001x64xf32, #tpu.memory_space<hbm>>
    tpu.enqueue_indirect_dma source(%dma_start3A_6 : memref<50001x64xf32, #tpu.memory_space<hbm>>) target(%arg9 : memref<448x64xf32, #tpu.memory_space<vmem>>) offsets(%arg7 : memref<448xi32, #tpu.memory_space<vmem>>) semaphore(%arg13 : memref<!tpu.dma_semaphore, #tpu.memory_space<semaphore_mem>>)
    %dma_start3A_7 = arith.constant 0 : i32
    %dma_start3A_8 = arith.constant 0 : i32
    %dma_start3A_9 = tpu.memref_slice %arg3[%dma_start3A_7, %dma_start3A_8] : memref<50001x16xf32, #tpu.memory_space<hbm>> -> memref<50001x16xf32, #tpu.memory_space<hbm>>
    tpu.enqueue_indirect_dma source(%dma_start3A_9 : memref<50001x16xf32, #tpu.memory_space<hbm>>) target(%arg11 : memref<448x16xf32, #tpu.memory_space<vmem>>) offsets(%arg7 : memref<448xi32, #tpu.memory_space<vmem>>) semaphore(%arg15 : memref<!tpu.dma_semaphore, #tpu.memory_space<semaphore_mem>>)
    %scan3A = arith.constant 0 : i32
    %scan3A_10 = arith.constant 0 : i32
    %scan3A_11 = arith.constant 13 : i32
    %scan3A_12 = arith.addi %scan3A_10, %scan3A_11 : i32
    %scan3A_13 = arith.constant 1 : i32
    scf.for %scan3A_94 = %scan3A_10 to %scan3A_12 step %scan3A_13  : i32 {
      %mul3A_95 = arith.constant 2 : i32
      %mul3A_96 = arith.muli %mul3A_95, %scan3A_94 : i32
      %add3A_97 = arith.constant 1 : i32
      %add3A_98 = arith.addi %mul3A_96, %add3A_97 : i32
      %mul3A_99 = arith.constant 2 : i32
      %mul3A_100 = arith.muli %mul3A_99, %scan3A_94 : i32
      %add3A_101 = arith.constant 2 : i32
      %add3A_102 = arith.addi %mul3A_100, %add3A_101 : i32
      %ge3A = arith.constant 1 : i32
      %ge3A_103 = arith.cmpi sge, %scan3A_94, %ge3A : i32
      %convert_element_type3A = arith.extui %ge3A_103 : i1 to i32
      %cond3A = arith.constant 0 : i32
      %cond3A_104 = arith.cmpi ne, %convert_element_type3A, %cond3A : i32
      scf.if %cond3A_104 {
        %dma_wait3A_177 = arith.constant 0 : i32
        %dma_wait3A_178 = arith.constant 0 : i32
        %dma_wait3A_179 = tpu.memref_slice %arg5[%dma_wait3A_177, %dma_wait3A_178] : memref<401408x64xf32, #tpu.memory_space<hbm>> -> memref<448x64xf32, #tpu.memory_space<hbm>>
        %dma_wait3A_180 = arith.constant 0 : i32
        %dma_wait3A_181 = arith.constant 0 : i32
        %dma_wait3A_182 = tpu.memref_slice %arg5[%dma_wait3A_180, %dma_wait3A_181] : memref<401408x64xf32, #tpu.memory_space<hbm>> -> memref<448x64xf32, #tpu.memory_space<hbm>>
        tpu.wait_dma2 semaphore(%arg18 : memref<!tpu.dma_semaphore, #tpu.memory_space<semaphore_mem>>) src(%arg10 : memref<448x64xf32, #tpu.memory_space<vmem>>) dst(%dma_wait3A_182 : memref<448x64xf32, #tpu.memory_space<hbm>>)
        %dma_wait3A_183 = arith.constant 0 : i32
        %dma_wait3A_184 = arith.constant 0 : i32
        %dma_wait3A_185 = tpu.memref_slice %arg6[%dma_wait3A_183, %dma_wait3A_184] : memref<401408x16xf32, #tpu.memory_space<hbm>> -> memref<448x16xf32, #tpu.memory_space<hbm>>
        %dma_wait3A_186 = arith.constant 0 : i32
        %dma_wait3A_187 = arith.constant 0 : i32
        %dma_wait3A_188 = tpu.memref_slice %arg6[%dma_wait3A_186, %dma_wait3A_187] : memref<401408x16xf32, #tpu.memory_space<hbm>> -> memref<448x16xf32, #tpu.memory_space<hbm>>
        tpu.wait_dma2 semaphore(%arg20 : memref<!tpu.dma_semaphore, #tpu.memory_space<semaphore_mem>>) src(%arg12 : memref<448x16xf32, #tpu.memory_space<vmem>>) dst(%dma_wait3A_188 : memref<448x16xf32, #tpu.memory_space<hbm>>)
      } else {
      }
      %mul3A_105 = arith.constant 448 : i32
      %mul3A_106 = arith.muli %add3A_98, %mul3A_105 : i32
      %add3A_107 = arith.addi %mul3A_2, %mul3A_106 : i32
      "tpu.region"() ({
        %run_scoped3A = tpu.sem_alloc : memref<!tpu.dma_semaphore, #tpu.memory_space<semaphore_mem>>
        %dma_start3A_177 = tpu.memref_slice %arg4[%add3A_107] : memref<401408xi32, #tpu.memory_space<hbm>> -> memref<448xi32, #tpu.memory_space<hbm>>
        %dma_start3A_178 = tpu.memref_slice %arg4[%add3A_107] : memref<401408xi32, #tpu.memory_space<hbm>> -> memref<448xi32, #tpu.memory_space<hbm>>
        tpu.enqueue_dma source(%dma_start3A_178 : memref<448xi32, #tpu.memory_space<hbm>>) target(%arg8 : memref<448xi32, #tpu.memory_space<vmem>>) target_semaphore(%run_scoped3A : memref<!tpu.dma_semaphore, #tpu.memory_space<semaphore_mem>>)
        %dma_wait3A_179 = tpu.memref_slice %arg4[%add3A_107] : memref<401408xi32, #tpu.memory_space<hbm>> -> memref<448xi32, #tpu.memory_space<hbm>>
        %dma_wait3A_180 = tpu.memref_slice %arg4[%add3A_107] : memref<401408xi32, #tpu.memory_space<hbm>> -> memref<448xi32, #tpu.memory_space<hbm>>
        tpu.wait_dma2 semaphore(%run_scoped3A : memref<!tpu.dma_semaphore, #tpu.memory_space<semaphore_mem>>) src(%dma_wait3A_180 : memref<448xi32, #tpu.memory_space<hbm>>) dst(%arg8 : memref<448xi32, #tpu.memory_space<vmem>>)
        tpu.yield
      }) : () -> ()
      %dma_start3A_108 = arith.constant 0 : i32
      %dma_start3A_109 = arith.constant 0 : i32
      %dma_start3A_110 = tpu.memref_slice %arg2[%dma_start3A_108, %dma_start3A_109] : memref<50001x64xf32, #tpu.memory_space<hbm>> -> memref<50001x64xf32, #tpu.memory_space<hbm>>
      tpu.enqueue_indirect_dma source(%dma_start3A_110 : memref<50001x64xf32, #tpu.memory_space<hbm>>) target(%arg10 : memref<448x64xf32, #tpu.memory_space<vmem>>) offsets(%arg8 : memref<448xi32, #tpu.memory_space<vmem>>) semaphore(%arg14 : memref<!tpu.dma_semaphore, #tpu.memory_space<semaphore_mem>>)
      %dma_start3A_111 = arith.constant 0 : i32
      %dma_start3A_112 = arith.constant 0 : i32
      %dma_start3A_113 = tpu.memref_slice %arg3[%dma_start3A_111, %dma_start3A_112] : memref<50001x16xf32, #tpu.memory_space<hbm>> -> memref<50001x16xf32, #tpu.memory_space<hbm>>
      tpu.enqueue_indirect_dma source(%dma_start3A_113 : memref<50001x16xf32, #tpu.memory_space<hbm>>) target(%arg12 : memref<448x16xf32, #tpu.memory_space<vmem>>) offsets(%arg8 : memref<448xi32, #tpu.memory_space<vmem>>) semaphore(%arg16 : memref<!tpu.dma_semaphore, #tpu.memory_space<semaphore_mem>>)
      %dma_wait3A_114 = arith.constant 0 : i32
      %dma_wait3A_115 = arith.constant 0 : i32
      %dma_wait3A_116 = tpu.memref_slice %arg2[%dma_wait3A_114, %dma_wait3A_115] : memref<50001x64xf32, #tpu.memory_space<hbm>> -> memref<50001x64xf32, #tpu.memory_space<hbm>>
      tpu.wait_indirect_dma semaphore(%arg13 : memref<!tpu.dma_semaphore, #tpu.memory_space<semaphore_mem>>) src(%dma_wait3A_116 : memref<50001x64xf32, #tpu.memory_space<hbm>>) dst(%arg9 : memref<448x64xf32, #tpu.memory_space<vmem>>)
      %dma_wait3A_117 = arith.constant 0 : i32
      %dma_wait3A_118 = arith.constant 0 : i32
      %dma_wait3A_119 = tpu.memref_slice %arg3[%dma_wait3A_117, %dma_wait3A_118] : memref<50001x16xf32, #tpu.memory_space<hbm>> -> memref<50001x16xf32, #tpu.memory_space<hbm>>
      tpu.wait_indirect_dma semaphore(%arg15 : memref<!tpu.dma_semaphore, #tpu.memory_space<semaphore_mem>>) src(%dma_wait3A_119 : memref<50001x16xf32, #tpu.memory_space<hbm>>) dst(%arg11 : memref<448x16xf32, #tpu.memory_space<vmem>>)
      %mul3A_120 = arith.constant 2 : i32
      %mul3A_121 = arith.muli %mul3A_120, %scan3A_94 : i32
      %mul3A_122 = arith.constant 448 : i32
      %mul3A_123 = arith.muli %mul3A_121, %mul3A_122 : i32
      %add3A_124 = arith.addi %mul3A_2, %mul3A_123 : i32
      %dma_start3A_125 = arith.constant 0 : i32
      %dma_start3A_126 = tpu.memref_slice %arg5[%add3A_124, %dma_start3A_125] : memref<401408x64xf32, #tpu.memory_space<hbm>> -> memref<448x64xf32, #tpu.memory_space<hbm>>
      %dma_start3A_127 = arith.constant 0 : i32
      %dma_start3A_128 = tpu.memref_slice %arg5[%add3A_124, %dma_start3A_127] : memref<401408x64xf32, #tpu.memory_space<hbm>> -> memref<448x64xf32, #tpu.memory_space<hbm>>
      tpu.enqueue_dma source(%arg9 : memref<448x64xf32, #tpu.memory_space<vmem>>) target(%dma_start3A_128 : memref<448x64xf32, #tpu.memory_space<hbm>>) target_semaphore(%arg17 : memref<!tpu.dma_semaphore, #tpu.memory_space<semaphore_mem>>)
      %mul3A_129 = arith.constant 448 : i32
      %mul3A_130 = arith.muli %mul3A_121, %mul3A_129 : i32
      %add3A_131 = arith.addi %mul3A_2, %mul3A_130 : i32
      %dma_start3A_132 = arith.constant 0 : i32
      %dma_start3A_133 = tpu.memref_slice %arg6[%add3A_131, %dma_start3A_132] : memref<401408x16xf32, #tpu.memory_space<hbm>> -> memref<448x16xf32, #tpu.memory_space<hbm>>
      %dma_start3A_134 = arith.constant 0 : i32
      %dma_start3A_135 = tpu.memref_slice %arg6[%add3A_131, %dma_start3A_134] : memref<401408x16xf32, #tpu.memory_space<hbm>> -> memref<448x16xf32, #tpu.memory_space<hbm>>
      tpu.enqueue_dma source(%arg11 : memref<448x16xf32, #tpu.memory_space<vmem>>) target(%dma_start3A_135 : memref<448x16xf32, #tpu.memory_space<hbm>>) target_semaphore(%arg19 : memref<!tpu.dma_semaphore, #tpu.memory_space<semaphore_mem>>)
      %dma_wait3A_136 = arith.constant 0 : i32
      %dma_wait3A_137 = arith.constant 0 : i32
      %dma_wait3A_138 = tpu.memref_slice %arg5[%dma_wait3A_136, %dma_wait3A_137] : memref<401408x64xf32, #tpu.memory_space<hbm>> -> memref<448x64xf32, #tpu.memory_space<hbm>>
      %dma_wait3A_139 = arith.constant 0 : i32
      %dma_wait3A_140 = arith.constant 0 : i32
      %dma_wait3A_141 = tpu.memref_slice %arg5[%dma_wait3A_139, %dma_wait3A_140] : memref<401408x64xf32, #tpu.memory_space<hbm>> -> memref<448x64xf32, #tpu.memory_space<hbm>>
      tpu.wait_dma2 semaphore(%arg17 : memref<!tpu.dma_semaphore, #tpu.memory_space<semaphore_mem>>) src(%arg9 : memref<448x64xf32, #tpu.memory_space<vmem>>) dst(%dma_wait3A_141 : memref<448x64xf32, #tpu.memory_space<hbm>>)
      %dma_wait3A_142 = arith.constant 0 : i32
      %dma_wait3A_143 = arith.constant 0 : i32
      %dma_wait3A_144 = tpu.memref_slice %arg6[%dma_wait3A_142, %dma_wait3A_143] : memref<401408x16xf32, #tpu.memory_space<hbm>> -> memref<448x16xf32, #tpu.memory_space<hbm>>
      %dma_wait3A_145 = arith.constant 0 : i32
      %dma_wait3A_146 = arith.constant 0 : i32
      %dma_wait3A_147 = tpu.memref_slice %arg6[%dma_wait3A_145, %dma_wait3A_146] : memref<401408x16xf32, #tpu.memory_space<hbm>> -> memref<448x16xf32, #tpu.memory_space<hbm>>
      tpu.wait_dma2 semaphore(%arg19 : memref<!tpu.dma_semaphore, #tpu.memory_space<semaphore_mem>>) src(%arg11 : memref<448x16xf32, #tpu.memory_space<vmem>>) dst(%dma_wait3A_147 : memref<448x16xf32, #tpu.memory_space<hbm>>)
      %mul3A_148 = arith.constant 448 : i32
      %mul3A_149 = arith.muli %add3A_102, %mul3A_148 : i32
      %add3A_150 = arith.addi %mul3A_2, %mul3A_149 : i32
      "tpu.region"() ({
        %run_scoped3A = tpu.sem_alloc : memref<!tpu.dma_semaphore, #tpu.memory_space<semaphore_mem>>
        %dma_start3A_177 = tpu.memref_slice %arg4[%add3A_150] : memref<401408xi32, #tpu.memory_space<hbm>> -> memref<448xi32, #tpu.memory_space<hbm>>
        %dma_start3A_178 = tpu.memref_slice %arg4[%add3A_150] : memref<401408xi32, #tpu.memory_space<hbm>> -> memref<448xi32, #tpu.memory_space<hbm>>
        tpu.enqueue_dma source(%dma_start3A_178 : memref<448xi32, #tpu.memory_space<hbm>>) target(%arg7 : memref<448xi32, #tpu.memory_space<vmem>>) target_semaphore(%run_scoped3A : memref<!tpu.dma_semaphore, #tpu.memory_space<semaphore_mem>>)
        %dma_wait3A_179 = tpu.memref_slice %arg4[%add3A_150] : memref<401408xi32, #tpu.memory_space<hbm>> -> memref<448xi32, #tpu.memory_space<hbm>>
        %dma_wait3A_180 = tpu.memref_slice %arg4[%add3A_150] : memref<401408xi32, #tpu.memory_space<hbm>> -> memref<448xi32, #tpu.memory_space<hbm>>
        tpu.wait_dma2 semaphore(%run_scoped3A : memref<!tpu.dma_semaphore, #tpu.memory_space<semaphore_mem>>) src(%dma_wait3A_180 : memref<448xi32, #tpu.memory_space<hbm>>) dst(%arg7 : memref<448xi32, #tpu.memory_space<vmem>>)
        tpu.yield
      }) : () -> ()
      %dma_start3A_151 = arith.constant 0 : i32
      %dma_start3A_152 = arith.constant 0 : i32
      %dma_start3A_153 = tpu.memref_slice %arg2[%dma_start3A_151, %dma_start3A_152] : memref<50001x64xf32, #tpu.memory_space<hbm>> -> memref<50001x64xf32, #tpu.memory_space<hbm>>
      tpu.enqueue_indirect_dma source(%dma_start3A_153 : memref<50001x64xf32, #tpu.memory_space<hbm>>) target(%arg9 : memref<448x64xf32, #tpu.memory_space<vmem>>) offsets(%arg7 : memref<448xi32, #tpu.memory_space<vmem>>) semaphore(%arg13 : memref<!tpu.dma_semaphore, #tpu.memory_space<semaphore_mem>>)
      %dma_start3A_154 = arith.constant 0 : i32
      %dma_start3A_155 = arith.constant 0 : i32
      %dma_start3A_156 = tpu.memref_slice %arg3[%dma_start3A_154, %dma_start3A_155] : memref<50001x16xf32, #tpu.memory_space<hbm>> -> memref<50001x16xf32, #tpu.memory_space<hbm>>
      tpu.enqueue_indirect_dma source(%dma_start3A_156 : memref<50001x16xf32, #tpu.memory_space<hbm>>) target(%arg11 : memref<448x16xf32, #tpu.memory_space<vmem>>) offsets(%arg7 : memref<448xi32, #tpu.memory_space<vmem>>) semaphore(%arg15 : memref<!tpu.dma_semaphore, #tpu.memory_space<semaphore_mem>>)
      %dma_wait3A_157 = arith.constant 0 : i32
      %dma_wait3A_158 = arith.constant 0 : i32
      %dma_wait3A_159 = tpu.memref_slice %arg2[%dma_wait3A_157, %dma_wait3A_158] : memref<50001x64xf32, #tpu.memory_space<hbm>> -> memref<50001x64xf32, #tpu.memory_space<hbm>>
      tpu.wait_indirect_dma semaphore(%arg14 : memref<!tpu.dma_semaphore, #tpu.memory_space<semaphore_mem>>) src(%dma_wait3A_159 : memref<50001x64xf32, #tpu.memory_space<hbm>>) dst(%arg10 : memref<448x64xf32, #tpu.memory_space<vmem>>)
      %dma_wait3A_160 = arith.constant 0 : i32
      %dma_wait3A_161 = arith.constant 0 : i32
      %dma_wait3A_162 = tpu.memref_slice %arg3[%dma_wait3A_160, %dma_wait3A_161] : memref<50001x16xf32, #tpu.memory_space<hbm>> -> memref<50001x16xf32, #tpu.memory_space<hbm>>
      tpu.wait_indirect_dma semaphore(%arg16 : memref<!tpu.dma_semaphore, #tpu.memory_space<semaphore_mem>>) src(%dma_wait3A_162 : memref<50001x16xf32, #tpu.memory_space<hbm>>) dst(%arg12 : memref<448x16xf32, #tpu.memory_space<vmem>>)
      %mul3A_163 = arith.constant 448 : i32
      %mul3A_164 = arith.muli %add3A_98, %mul3A_163 : i32
      %add3A_165 = arith.addi %mul3A_2, %mul3A_164 : i32
      %dma_start3A_166 = arith.constant 0 : i32
      %dma_start3A_167 = tpu.memref_slice %arg5[%add3A_165, %dma_start3A_166] : memref<401408x64xf32, #tpu.memory_space<hbm>> -> memref<448x64xf32, #tpu.memory_space<hbm>>
      %dma_start3A_168 = arith.constant 0 : i32
      %dma_start3A_169 = tpu.memref_slice %arg5[%add3A_165, %dma_start3A_168] : memref<401408x64xf32, #tpu.memory_space<hbm>> -> memref<448x64xf32, #tpu.memory_space<hbm>>
      tpu.enqueue_dma source(%arg10 : memref<448x64xf32, #tpu.memory_space<vmem>>) target(%dma_start3A_169 : memref<448x64xf32, #tpu.memory_space<hbm>>) target_semaphore(%arg18 : memref<!tpu.dma_semaphore, #tpu.memory_space<semaphore_mem>>)
      %mul3A_170 = arith.constant 448 : i32
      %mul3A_171 = arith.muli %add3A_98, %mul3A_170 : i32
      %add3A_172 = arith.addi %mul3A_2, %mul3A_171 : i32
      %dma_start3A_173 = arith.constant 0 : i32
      %dma_start3A_174 = tpu.memref_slice %arg6[%add3A_172, %dma_start3A_173] : memref<401408x16xf32, #tpu.memory_space<hbm>> -> memref<448x16xf32, #tpu.memory_space<hbm>>
      %dma_start3A_175 = arith.constant 0 : i32
      %dma_start3A_176 = tpu.memref_slice %arg6[%add3A_172, %dma_start3A_175] : memref<401408x16xf32, #tpu.memory_space<hbm>> -> memref<448x16xf32, #tpu.memory_space<hbm>>
      tpu.enqueue_dma source(%arg12 : memref<448x16xf32, #tpu.memory_space<vmem>>) target(%dma_start3A_176 : memref<448x16xf32, #tpu.memory_space<hbm>>) target_semaphore(%arg20 : memref<!tpu.dma_semaphore, #tpu.memory_space<semaphore_mem>>)
    }
    %scan3A_14 = arith.constant 13 : i32
    %dma_wait3A = arith.constant 0 : i32
    %dma_wait3A_15 = arith.constant 0 : i32
    %dma_wait3A_16 = tpu.memref_slice %arg5[%dma_wait3A, %dma_wait3A_15] : memref<401408x64xf32, #tpu.memory_space<hbm>> -> memref<448x64xf32, #tpu.memory_space<hbm>>
    %dma_wait3A_17 = arith.constant 0 : i32
    %dma_wait3A_18 = arith.constant 0 : i32
    %dma_wait3A_19 = tpu.memref_slice %arg5[%dma_wait3A_17, %dma_wait3A_18] : memref<401408x64xf32, #tpu.memory_space<hbm>> -> memref<448x64xf32, #tpu.memory_space<hbm>>
    tpu.wait_dma2 semaphore(%arg18 : memref<!tpu.dma_semaphore, #tpu.memory_space<semaphore_mem>>) src(%arg10 : memref<448x64xf32, #tpu.memory_space<vmem>>) dst(%dma_wait3A_19 : memref<448x64xf32, #tpu.memory_space<hbm>>)
    %dma_wait3A_20 = arith.constant 0 : i32
    %dma_wait3A_21 = arith.constant 0 : i32
    %dma_wait3A_22 = tpu.memref_slice %arg6[%dma_wait3A_20, %dma_wait3A_21] : memref<401408x16xf32, #tpu.memory_space<hbm>> -> memref<448x16xf32, #tpu.memory_space<hbm>>
    %dma_wait3A_23 = arith.constant 0 : i32
    %dma_wait3A_24 = arith.constant 0 : i32
    %dma_wait3A_25 = tpu.memref_slice %arg6[%dma_wait3A_23, %dma_wait3A_24] : memref<401408x16xf32, #tpu.memory_space<hbm>> -> memref<448x16xf32, #tpu.memory_space<hbm>>
    tpu.wait_dma2 semaphore(%arg20 : memref<!tpu.dma_semaphore, #tpu.memory_space<semaphore_mem>>) src(%arg12 : memref<448x16xf32, #tpu.memory_space<vmem>>) dst(%dma_wait3A_25 : memref<448x16xf32, #tpu.memory_space<hbm>>)
    %add3A_26 = arith.constant 12096 : i32
    %add3A_27 = arith.addi %mul3A_2, %add3A_26 : i32
    "tpu.region"() ({
      %run_scoped3A = tpu.sem_alloc : memref<!tpu.dma_semaphore, #tpu.memory_space<semaphore_mem>>
      %dma_start3A_94 = tpu.memref_slice %arg4[%add3A_27] : memref<401408xi32, #tpu.memory_space<hbm>> -> memref<448xi32, #tpu.memory_space<hbm>>
      %dma_start3A_95 = tpu.memref_slice %arg4[%add3A_27] : memref<401408xi32, #tpu.memory_space<hbm>> -> memref<448xi32, #tpu.memory_space<hbm>>
      tpu.enqueue_dma source(%dma_start3A_95 : memref<448xi32, #tpu.memory_space<hbm>>) target(%arg8 : memref<448xi32, #tpu.memory_space<vmem>>) target_semaphore(%run_scoped3A : memref<!tpu.dma_semaphore, #tpu.memory_space<semaphore_mem>>)
      %dma_wait3A_96 = tpu.memref_slice %arg4[%add3A_27] : memref<401408xi32, #tpu.memory_space<hbm>> -> memref<448xi32, #tpu.memory_space<hbm>>
      %dma_wait3A_97 = tpu.memref_slice %arg4[%add3A_27] : memref<401408xi32, #tpu.memory_space<hbm>> -> memref<448xi32, #tpu.memory_space<hbm>>
      tpu.wait_dma2 semaphore(%run_scoped3A : memref<!tpu.dma_semaphore, #tpu.memory_space<semaphore_mem>>) src(%dma_wait3A_97 : memref<448xi32, #tpu.memory_space<hbm>>) dst(%arg8 : memref<448xi32, #tpu.memory_space<vmem>>)
      tpu.yield
    }) : () -> ()
    %dma_start3A_28 = arith.constant 0 : i32
    %dma_start3A_29 = arith.constant 0 : i32
    %dma_start3A_30 = tpu.memref_slice %arg2[%dma_start3A_28, %dma_start3A_29] : memref<50001x64xf32, #tpu.memory_space<hbm>> -> memref<50001x64xf32, #tpu.memory_space<hbm>>
    tpu.enqueue_indirect_dma source(%dma_start3A_30 : memref<50001x64xf32, #tpu.memory_space<hbm>>) target(%arg10 : memref<448x64xf32, #tpu.memory_space<vmem>>) offsets(%arg8 : memref<448xi32, #tpu.memory_space<vmem>>) semaphore(%arg14 : memref<!tpu.dma_semaphore, #tpu.memory_space<semaphore_mem>>)
    %dma_start3A_31 = arith.constant 0 : i32
    %dma_start3A_32 = arith.constant 0 : i32
    %dma_start3A_33 = tpu.memref_slice %arg3[%dma_start3A_31, %dma_start3A_32] : memref<50001x16xf32, #tpu.memory_space<hbm>> -> memref<50001x16xf32, #tpu.memory_space<hbm>>
    tpu.enqueue_indirect_dma source(%dma_start3A_33 : memref<50001x16xf32, #tpu.memory_space<hbm>>) target(%arg12 : memref<448x16xf32, #tpu.memory_space<vmem>>) offsets(%arg8 : memref<448xi32, #tpu.memory_space<vmem>>) semaphore(%arg16 : memref<!tpu.dma_semaphore, #tpu.memory_space<semaphore_mem>>)
    %dma_wait3A_34 = arith.constant 0 : i32
    %dma_wait3A_35 = arith.constant 0 : i32
    %dma_wait3A_36 = tpu.memref_slice %arg2[%dma_wait3A_34, %dma_wait3A_35] : memref<50001x64xf32, #tpu.memory_space<hbm>> -> memref<50001x64xf32, #tpu.memory_space<hbm>>
    tpu.wait_indirect_dma semaphore(%arg13 : memref<!tpu.dma_semaphore, #tpu.memory_space<semaphore_mem>>) src(%dma_wait3A_36 : memref<50001x64xf32, #tpu.memory_space<hbm>>) dst(%arg9 : memref<448x64xf32, #tpu.memory_space<vmem>>)
    %dma_wait3A_37 = arith.constant 0 : i32
    %dma_wait3A_38 = arith.constant 0 : i32
    %dma_wait3A_39 = tpu.memref_slice %arg3[%dma_wait3A_37, %dma_wait3A_38] : memref<50001x16xf32, #tpu.memory_space<hbm>> -> memref<50001x16xf32, #tpu.memory_space<hbm>>
    tpu.wait_indirect_dma semaphore(%arg15 : memref<!tpu.dma_semaphore, #tpu.memory_space<semaphore_mem>>) src(%dma_wait3A_39 : memref<50001x16xf32, #tpu.memory_space<hbm>>) dst(%arg11 : memref<448x16xf32, #tpu.memory_space<vmem>>)
    %add3A_40 = arith.constant 11648 : i32
    %add3A_41 = arith.addi %mul3A_2, %add3A_40 : i32
    %dma_start3A_42 = arith.constant 0 : i32
    %dma_start3A_43 = tpu.memref_slice %arg5[%add3A_41, %dma_start3A_42] : memref<401408x64xf32, #tpu.memory_space<hbm>> -> memref<448x64xf32, #tpu.memory_space<hbm>>
    %dma_start3A_44 = arith.constant 0 : i32
    %dma_start3A_45 = tpu.memref_slice %arg5[%add3A_41, %dma_start3A_44] : memref<401408x64xf32, #tpu.memory_space<hbm>> -> memref<448x64xf32, #tpu.memory_space<hbm>>
    tpu.enqueue_dma source(%arg9 : memref<448x64xf32, #tpu.memory_space<vmem>>) target(%dma_start3A_45 : memref<448x64xf32, #tpu.memory_space<hbm>>) target_semaphore(%arg17 : memref<!tpu.dma_semaphore, #tpu.memory_space<semaphore_mem>>)
    %add3A_46 = arith.constant 11648 : i32
    %add3A_47 = arith.addi %mul3A_2, %add3A_46 : i32
    %dma_start3A_48 = arith.constant 0 : i32
    %dma_start3A_49 = tpu.memref_slice %arg6[%add3A_47, %dma_start3A_48] : memref<401408x16xf32, #tpu.memory_space<hbm>> -> memref<448x16xf32, #tpu.memory_space<hbm>>
    %dma_start3A_50 = arith.constant 0 : i32
    %dma_start3A_51 = tpu.memref_slice %arg6[%add3A_47, %dma_start3A_50] : memref<401408x16xf32, #tpu.memory_space<hbm>> -> memref<448x16xf32, #tpu.memory_space<hbm>>
    tpu.enqueue_dma source(%arg11 : memref<448x16xf32, #tpu.memory_space<vmem>>) target(%dma_start3A_51 : memref<448x16xf32, #tpu.memory_space<hbm>>) target_semaphore(%arg19 : memref<!tpu.dma_semaphore, #tpu.memory_space<semaphore_mem>>)
    %dma_wait3A_52 = arith.constant 0 : i32
    %dma_wait3A_53 = arith.constant 0 : i32
    %dma_wait3A_54 = tpu.memref_slice %arg2[%dma_wait3A_52, %dma_wait3A_53] : memref<50001x64xf32, #tpu.memory_space<hbm>> -> memref<50001x64xf32, #tpu.memory_space<hbm>>
    tpu.wait_indirect_dma semaphore(%arg14 : memref<!tpu.dma_semaphore, #tpu.memory_space<semaphore_mem>>) src(%dma_wait3A_54 : memref<50001x64xf32, #tpu.memory_space<hbm>>) dst(%arg10 : memref<448x64xf32, #tpu.memory_space<vmem>>)
    %dma_wait3A_55 = arith.constant 0 : i32
    %dma_wait3A_56 = arith.constant 0 : i32
    %dma_wait3A_57 = tpu.memref_slice %arg3[%dma_wait3A_55, %dma_wait3A_56] : memref<50001x16xf32, #tpu.memory_space<hbm>> -> memref<50001x16xf32, #tpu.memory_space<hbm>>
    tpu.wait_indirect_dma semaphore(%arg16 : memref<!tpu.dma_semaphore, #tpu.memory_space<semaphore_mem>>) src(%dma_wait3A_57 : memref<50001x16xf32, #tpu.memory_space<hbm>>) dst(%arg12 : memref<448x16xf32, #tpu.memory_space<vmem>>)
    %add3A_58 = arith.constant 12096 : i32
    %add3A_59 = arith.addi %mul3A_2, %add3A_58 : i32
    %dma_start3A_60 = arith.constant 0 : i32
    %dma_start3A_61 = tpu.memref_slice %arg5[%add3A_59, %dma_start3A_60] : memref<401408x64xf32, #tpu.memory_space<hbm>> -> memref<448x64xf32, #tpu.memory_space<hbm>>
    %dma_start3A_62 = arith.constant 0 : i32
    %dma_start3A_63 = tpu.memref_slice %arg5[%add3A_59, %dma_start3A_62] : memref<401408x64xf32, #tpu.memory_space<hbm>> -> memref<448x64xf32, #tpu.memory_space<hbm>>
    tpu.enqueue_dma source(%arg10 : memref<448x64xf32, #tpu.memory_space<vmem>>) target(%dma_start3A_63 : memref<448x64xf32, #tpu.memory_space<hbm>>) target_semaphore(%arg18 : memref<!tpu.dma_semaphore, #tpu.memory_space<semaphore_mem>>)
    %add3A_64 = arith.constant 12096 : i32
    %add3A_65 = arith.addi %mul3A_2, %add3A_64 : i32
    %dma_start3A_66 = arith.constant 0 : i32
    %dma_start3A_67 = tpu.memref_slice %arg6[%add3A_65, %dma_start3A_66] : memref<401408x16xf32, #tpu.memory_space<hbm>> -> memref<448x16xf32, #tpu.memory_space<hbm>>
    %dma_start3A_68 = arith.constant 0 : i32
    %dma_start3A_69 = tpu.memref_slice %arg6[%add3A_65, %dma_start3A_68] : memref<401408x16xf32, #tpu.memory_space<hbm>> -> memref<448x16xf32, #tpu.memory_space<hbm>>
    tpu.enqueue_dma source(%arg12 : memref<448x16xf32, #tpu.memory_space<vmem>>) target(%dma_start3A_69 : memref<448x16xf32, #tpu.memory_space<hbm>>) target_semaphore(%arg20 : memref<!tpu.dma_semaphore, #tpu.memory_space<semaphore_mem>>)
    %dma_wait3A_70 = arith.constant 0 : i32
    %dma_wait3A_71 = arith.constant 0 : i32
    %dma_wait3A_72 = tpu.memref_slice %arg5[%dma_wait3A_70, %dma_wait3A_71] : memref<401408x64xf32, #tpu.memory_space<hbm>> -> memref<448x64xf32, #tpu.memory_space<hbm>>
    %dma_wait3A_73 = arith.constant 0 : i32
    %dma_wait3A_74 = arith.constant 0 : i32
    %dma_wait3A_75 = tpu.memref_slice %arg5[%dma_wait3A_73, %dma_wait3A_74] : memref<401408x64xf32, #tpu.memory_space<hbm>> -> memref<448x64xf32, #tpu.memory_space<hbm>>
    tpu.wait_dma2 semaphore(%arg17 : memref<!tpu.dma_semaphore, #tpu.memory_space<semaphore_mem>>) src(%arg9 : memref<448x64xf32, #tpu.memory_space<vmem>>) dst(%dma_wait3A_75 : memref<448x64xf32, #tpu.memory_space<hbm>>)
    %dma_wait3A_76 = arith.constant 0 : i32
    %dma_wait3A_77 = arith.constant 0 : i32
    %dma_wait3A_78 = tpu.memref_slice %arg6[%dma_wait3A_76, %dma_wait3A_77] : memref<401408x16xf32, #tpu.memory_space<hbm>> -> memref<448x16xf32, #tpu.memory_space<hbm>>
    %dma_wait3A_79 = arith.constant 0 : i32
    %dma_wait3A_80 = arith.constant 0 : i32
    %dma_wait3A_81 = tpu.memref_slice %arg6[%dma_wait3A_79, %dma_wait3A_80] : memref<401408x16xf32, #tpu.memory_space<hbm>> -> memref<448x16xf32, #tpu.memory_space<hbm>>
    tpu.wait_dma2 semaphore(%arg19 : memref<!tpu.dma_semaphore, #tpu.memory_space<semaphore_mem>>) src(%arg11 : memref<448x16xf32, #tpu.memory_space<vmem>>) dst(%dma_wait3A_81 : memref<448x16xf32, #tpu.memory_space<hbm>>)
    %dma_wait3A_82 = arith.constant 0 : i32
    %dma_wait3A_83 = arith.constant 0 : i32
    %dma_wait3A_84 = tpu.memref_slice %arg5[%dma_wait3A_82, %dma_wait3A_83] : memref<401408x64xf32, #tpu.memory_space<hbm>> -> memref<448x64xf32, #tpu.memory_space<hbm>>
    %dma_wait3A_85 = arith.constant 0 : i32
    %dma_wait3A_86 = arith.constant 0 : i32
    %dma_wait3A_87 = tpu.memref_slice %arg5[%dma_wait3A_85, %dma_wait3A_86] : memref<401408x64xf32, #tpu.memory_space<hbm>> -> memref<448x64xf32, #tpu.memory_space<hbm>>
    tpu.wait_dma2 semaphore(%arg18 : memref<!tpu.dma_semaphore, #tpu.memory_space<semaphore_mem>>) src(%arg10 : memref<448x64xf32, #tpu.memory_space<vmem>>) dst(%dma_wait3A_87 : memref<448x64xf32, #tpu.memory_space<hbm>>)
    %dma_wait3A_88 = arith.constant 0 : i32
    %dma_wait3A_89 = arith.constant 0 : i32
    %dma_wait3A_90 = tpu.memref_slice %arg6[%dma_wait3A_88, %dma_wait3A_89] : memref<401408x16xf32, #tpu.memory_space<hbm>> -> memref<448x16xf32, #tpu.memory_space<hbm>>
    %dma_wait3A_91 = arith.constant 0 : i32
    %dma_wait3A_92 = arith.constant 0 : i32
    %dma_wait3A_93 = tpu.memref_slice %arg6[%dma_wait3A_91, %dma_wait3A_92] : memref<401408x16xf32, #tpu.memory_space<hbm>> -> memref<448x16xf32, #tpu.memory_space<hbm>>
    tpu.wait_dma2 semaphore(%arg20 : memref<!tpu.dma_semaphore, #tpu.memory_space<semaphore_mem>>) src(%arg12 : memref<448x16xf32, #tpu.memory_space<vmem>>) dst(%dma_wait3A_93 : memref<448x16xf32, #tpu.memory_space<hbm>>)
    return
  }
}

#map = affine_map<(d0, d1) -> (0, 0)>
#map1 = affine_map<(d0, d1) -> (0)>
module attributes {stable_mosaic.version = 14 : i64} {
  func.func @_sc_gather_body(%arg0: i32, %arg1: i32, %arg2: memref<50001x64xf32, #tpu.memory_space<hbm>>, %arg3: memref<50001x16xf32, #tpu.memory_space<hbm>>, %arg4: memref<401408xi32, #tpu.memory_space<hbm>>, %arg5: memref<401408x64xf32, #tpu.memory_space<hbm>>, %arg6: memref<401408x16xf32, #tpu.memory_space<hbm>>, %arg7: memref<448xi32, #tpu.memory_space<vmem>>, %arg8: memref<448xi32, #tpu.memory_space<vmem>>, %arg9: memref<448x64xf32, #tpu.memory_space<vmem>>, %arg10: memref<448x64xf32, #tpu.memory_space<vmem>>, %arg11: memref<448x16xf32, #tpu.memory_space<vmem>>, %arg12: memref<448x16xf32, #tpu.memory_space<vmem>>, %arg13: memref<!tpu.dma_semaphore, #tpu.memory_space<semaphore_mem>>, %arg14: memref<!tpu.dma_semaphore, #tpu.memory_space<semaphore_mem>>, %arg15: memref<!tpu.dma_semaphore, #tpu.memory_space<semaphore_mem>>, %arg16: memref<!tpu.dma_semaphore, #tpu.memory_space<semaphore_mem>>, %arg17: memref<!tpu.dma_semaphore, #tpu.memory_space<semaphore_mem>>, %arg18: memref<!tpu.dma_semaphore, #tpu.memory_space<semaphore_mem>>, %arg19: memref<!tpu.dma_semaphore, #tpu.memory_space<semaphore_mem>>, %arg20: memref<!tpu.dma_semaphore, #tpu.memory_space<semaphore_mem>>) attributes {dimension_semantics = [#tpu.dimension_semantics<core_parallel>, #tpu.dimension_semantics<subcore_parallel>], iteration_bounds = array<i64: 2, 16>, scalar_prefetch = 0 : i64, scratch_operands = 14 : i64, tpu.core_type = #tpu.core_type<sc_vector_subcore>, window_params = [{transform_indices = #map}, {transform_indices = #map}, {transform_indices = #map1}, {transform_indices = #map}, {transform_indices = #map}]} {
    %mul3A = arith.constant 2 : i32
    %mul3A_0 = arith.muli %arg1, %mul3A : i32
    %add3A = arith.addi %mul3A_0, %arg0 : i32
    %mul3A_1 = arith.constant 12544 : i32
    %mul3A_2 = arith.muli %add3A, %mul3A_1 : i32
    %add3A_3 = arith.constant 0 : i32
    %add3A_4 = arith.addi %mul3A_2, %add3A_3 : i32
    "tpu.region"() ({
      %run_scoped3A = tpu.sem_alloc : memref<!tpu.dma_semaphore, #tpu.memory_space<semaphore_mem>>
      %dma_start3A_94 = tpu.memref_slice %arg4[%add3A_4] : memref<401408xi32, #tpu.memory_space<hbm>> -> memref<448xi32, #tpu.memory_space<hbm>>
      %dma_start3A_95 = tpu.memref_slice %arg4[%add3A_4] : memref<401408xi32, #tpu.memory_space<hbm>> -> memref<448xi32, #tpu.memory_space<hbm>>
      tpu.enqueue_dma source(%dma_start3A_95 : memref<448xi32, #tpu.memory_space<hbm>>) target(%arg7 : memref<448xi32, #tpu.memory_space<vmem>>) target_semaphore(%run_scoped3A : memref<!tpu.dma_semaphore, #tpu.memory_space<semaphore_mem>>)
      %dma_wait3A_96 = tpu.memref_slice %arg4[%add3A_4] : memref<401408xi32, #tpu.memory_space<hbm>> -> memref<448xi32, #tpu.memory_space<hbm>>
      %dma_wait3A_97 = tpu.memref_slice %arg4[%add3A_4] : memref<401408xi32, #tpu.memory_space<hbm>> -> memref<448xi32, #tpu.memory_space<hbm>>
      tpu.wait_dma2 semaphore(%run_scoped3A : memref<!tpu.dma_semaphore, #tpu.memory_space<semaphore_mem>>) src(%dma_wait3A_97 : memref<448xi32, #tpu.memory_space<hbm>>) dst(%arg7 : memref<448xi32, #tpu.memory_space<vmem>>)
      tpu.yield
    }) : () -> ()
    %dma_start3A = arith.constant 0 : i32
    %dma_start3A_5 = arith.constant 0 : i32
    %dma_start3A_6 = tpu.memref_slice %arg2[%dma_start3A, %dma_start3A_5] : memref<50001x64xf32, #tpu.memory_space<hbm>> -> memref<50001x64xf32, #tpu.memory_space<hbm>>
    tpu.enqueue_indirect_dma source(%dma_start3A_6 : memref<50001x64xf32, #tpu.memory_space<hbm>>) target(%arg9 : memref<448x64xf32, #tpu.memory_space<vmem>>) offsets(%arg7 : memref<448xi32, #tpu.memory_space<vmem>>) semaphore(%arg13 : memref<!tpu.dma_semaphore, #tpu.memory_space<semaphore_mem>>)
    %dma_start3A_7 = arith.constant 0 : i32
    %dma_start3A_8 = arith.constant 0 : i32
    %dma_start3A_9 = tpu.memref_slice %arg3[%dma_start3A_7, %dma_start3A_8] : memref<50001x16xf32, #tpu.memory_space<hbm>> -> memref<50001x16xf32, #tpu.memory_space<hbm>>
    tpu.enqueue_indirect_dma source(%dma_start3A_9 : memref<50001x16xf32, #tpu.memory_space<hbm>>) target(%arg11 : memref<448x16xf32, #tpu.memory_space<vmem>>) offsets(%arg7 : memref<448xi32, #tpu.memory_space<vmem>>) semaphore(%arg15 : memref<!tpu.dma_semaphore, #tpu.memory_space<semaphore_mem>>)
    %scan3A = arith.constant 0 : i32
    %scan3A_10 = arith.constant 0 : i32
    %scan3A_11 = arith.constant 13 : i32
    %scan3A_12 = arith.addi %scan3A_10, %scan3A_11 : i32
    %scan3A_13 = arith.constant 1 : i32
    scf.for %scan3A_94 = %scan3A_10 to %scan3A_12 step %scan3A_13  : i32 {
      %mul3A_95 = arith.constant 2 : i32
      %mul3A_96 = arith.muli %mul3A_95, %scan3A_94 : i32
      %add3A_97 = arith.constant 1 : i32
      %add3A_98 = arith.addi %mul3A_96, %add3A_97 : i32
      %mul3A_99 = arith.constant 2 : i32
      %mul3A_100 = arith.muli %mul3A_99, %scan3A_94 : i32
      %add3A_101 = arith.constant 2 : i32
      %add3A_102 = arith.addi %mul3A_100, %add3A_101 : i32
      %ge3A = arith.constant 1 : i32
      %ge3A_103 = arith.cmpi sge, %scan3A_94, %ge3A : i32
      %convert_element_type3A = arith.extui %ge3A_103 : i1 to i32
      %cond3A = arith.constant 0 : i32
      %cond3A_104 = arith.cmpi ne, %convert_element_type3A, %cond3A : i32
      scf.if %cond3A_104 {
        %dma_wait3A_177 = arith.constant 0 : i32
        %dma_wait3A_178 = arith.constant 0 : i32
        %dma_wait3A_179 = tpu.memref_slice %arg5[%dma_wait3A_177, %dma_wait3A_178] : memref<401408x64xf32, #tpu.memory_space<hbm>> -> memref<448x64xf32, #tpu.memory_space<hbm>>
        %dma_wait3A_180 = arith.constant 0 : i32
        %dma_wait3A_181 = arith.constant 0 : i32
        %dma_wait3A_182 = tpu.memref_slice %arg5[%dma_wait3A_180, %dma_wait3A_181] : memref<401408x64xf32, #tpu.memory_space<hbm>> -> memref<448x64xf32, #tpu.memory_space<hbm>>
        tpu.wait_dma2 semaphore(%arg18 : memref<!tpu.dma_semaphore, #tpu.memory_space<semaphore_mem>>) src(%arg10 : memref<448x64xf32, #tpu.memory_space<vmem>>) dst(%dma_wait3A_182 : memref<448x64xf32, #tpu.memory_space<hbm>>)
        %dma_wait3A_183 = arith.constant 0 : i32
        %dma_wait3A_184 = arith.constant 0 : i32
        %dma_wait3A_185 = tpu.memref_slice %arg6[%dma_wait3A_183, %dma_wait3A_184] : memref<401408x16xf32, #tpu.memory_space<hbm>> -> memref<448x16xf32, #tpu.memory_space<hbm>>
        %dma_wait3A_186 = arith.constant 0 : i32
        %dma_wait3A_187 = arith.constant 0 : i32
        %dma_wait3A_188 = tpu.memref_slice %arg6[%dma_wait3A_186, %dma_wait3A_187] : memref<401408x16xf32, #tpu.memory_space<hbm>> -> memref<448x16xf32, #tpu.memory_space<hbm>>
        tpu.wait_dma2 semaphore(%arg20 : memref<!tpu.dma_semaphore, #tpu.memory_space<semaphore_mem>>) src(%arg12 : memref<448x16xf32, #tpu.memory_space<vmem>>) dst(%dma_wait3A_188 : memref<448x16xf32, #tpu.memory_space<hbm>>)
      } else {
      }
      %mul3A_105 = arith.constant 448 : i32
      %mul3A_106 = arith.muli %add3A_98, %mul3A_105 : i32
      %add3A_107 = arith.addi %mul3A_2, %mul3A_106 : i32
      "tpu.region"() ({
        %run_scoped3A = tpu.sem_alloc : memref<!tpu.dma_semaphore, #tpu.memory_space<semaphore_mem>>
        %dma_start3A_177 = tpu.memref_slice %arg4[%add3A_107] : memref<401408xi32, #tpu.memory_space<hbm>> -> memref<448xi32, #tpu.memory_space<hbm>>
        %dma_start3A_178 = tpu.memref_slice %arg4[%add3A_107] : memref<401408xi32, #tpu.memory_space<hbm>> -> memref<448xi32, #tpu.memory_space<hbm>>
        tpu.enqueue_dma source(%dma_start3A_178 : memref<448xi32, #tpu.memory_space<hbm>>) target(%arg8 : memref<448xi32, #tpu.memory_space<vmem>>) target_semaphore(%run_scoped3A : memref<!tpu.dma_semaphore, #tpu.memory_space<semaphore_mem>>)
        %dma_wait3A_179 = tpu.memref_slice %arg4[%add3A_107] : memref<401408xi32, #tpu.memory_space<hbm>> -> memref<448xi32, #tpu.memory_space<hbm>>
        %dma_wait3A_180 = tpu.memref_slice %arg4[%add3A_107] : memref<401408xi32, #tpu.memory_space<hbm>> -> memref<448xi32, #tpu.memory_space<hbm>>
        tpu.wait_dma2 semaphore(%run_scoped3A : memref<!tpu.dma_semaphore, #tpu.memory_space<semaphore_mem>>) src(%dma_wait3A_180 : memref<448xi32, #tpu.memory_space<hbm>>) dst(%arg8 : memref<448xi32, #tpu.memory_space<vmem>>)
        tpu.yield
      }) : () -> ()
      %dma_start3A_108 = arith.constant 0 : i32
      %dma_start3A_109 = arith.constant 0 : i32
      %dma_start3A_110 = tpu.memref_slice %arg2[%dma_start3A_108, %dma_start3A_109] : memref<50001x64xf32, #tpu.memory_space<hbm>> -> memref<50001x64xf32, #tpu.memory_space<hbm>>
      tpu.enqueue_indirect_dma source(%dma_start3A_110 : memref<50001x64xf32, #tpu.memory_space<hbm>>) target(%arg10 : memref<448x64xf32, #tpu.memory_space<vmem>>) offsets(%arg8 : memref<448xi32, #tpu.memory_space<vmem>>) semaphore(%arg14 : memref<!tpu.dma_semaphore, #tpu.memory_space<semaphore_mem>>)
      %dma_start3A_111 = arith.constant 0 : i32
      %dma_start3A_112 = arith.constant 0 : i32
      %dma_start3A_113 = tpu.memref_slice %arg3[%dma_start3A_111, %dma_start3A_112] : memref<50001x16xf32, #tpu.memory_space<hbm>> -> memref<50001x16xf32, #tpu.memory_space<hbm>>
      tpu.enqueue_indirect_dma source(%dma_start3A_113 : memref<50001x16xf32, #tpu.memory_space<hbm>>) target(%arg12 : memref<448x16xf32, #tpu.memory_space<vmem>>) offsets(%arg8 : memref<448xi32, #tpu.memory_space<vmem>>) semaphore(%arg16 : memref<!tpu.dma_semaphore, #tpu.memory_space<semaphore_mem>>)
      %dma_wait3A_114 = arith.constant 0 : i32
      %dma_wait3A_115 = arith.constant 0 : i32
      %dma_wait3A_116 = tpu.memref_slice %arg2[%dma_wait3A_114, %dma_wait3A_115] : memref<50001x64xf32, #tpu.memory_space<hbm>> -> memref<50001x64xf32, #tpu.memory_space<hbm>>
      tpu.wait_indirect_dma semaphore(%arg13 : memref<!tpu.dma_semaphore, #tpu.memory_space<semaphore_mem>>) src(%dma_wait3A_116 : memref<50001x64xf32, #tpu.memory_space<hbm>>) dst(%arg9 : memref<448x64xf32, #tpu.memory_space<vmem>>)
      %dma_wait3A_117 = arith.constant 0 : i32
      %dma_wait3A_118 = arith.constant 0 : i32
      %dma_wait3A_119 = tpu.memref_slice %arg3[%dma_wait3A_117, %dma_wait3A_118] : memref<50001x16xf32, #tpu.memory_space<hbm>> -> memref<50001x16xf32, #tpu.memory_space<hbm>>
      tpu.wait_indirect_dma semaphore(%arg15 : memref<!tpu.dma_semaphore, #tpu.memory_space<semaphore_mem>>) src(%dma_wait3A_119 : memref<50001x16xf32, #tpu.memory_space<hbm>>) dst(%arg11 : memref<448x16xf32, #tpu.memory_space<vmem>>)
      %mul3A_120 = arith.constant 2 : i32
      %mul3A_121 = arith.muli %mul3A_120, %scan3A_94 : i32
      %mul3A_122 = arith.constant 448 : i32
      %mul3A_123 = arith.muli %mul3A_121, %mul3A_122 : i32
      %add3A_124 = arith.addi %mul3A_2, %mul3A_123 : i32
      %dma_start3A_125 = arith.constant 0 : i32
      %dma_start3A_126 = tpu.memref_slice %arg5[%add3A_124, %dma_start3A_125] : memref<401408x64xf32, #tpu.memory_space<hbm>> -> memref<448x64xf32, #tpu.memory_space<hbm>>
      %dma_start3A_127 = arith.constant 0 : i32
      %dma_start3A_128 = tpu.memref_slice %arg5[%add3A_124, %dma_start3A_127] : memref<401408x64xf32, #tpu.memory_space<hbm>> -> memref<448x64xf32, #tpu.memory_space<hbm>>
      tpu.enqueue_dma source(%arg9 : memref<448x64xf32, #tpu.memory_space<vmem>>) target(%dma_start3A_128 : memref<448x64xf32, #tpu.memory_space<hbm>>) target_semaphore(%arg17 : memref<!tpu.dma_semaphore, #tpu.memory_space<semaphore_mem>>)
      %mul3A_129 = arith.constant 448 : i32
      %mul3A_130 = arith.muli %mul3A_121, %mul3A_129 : i32
      %add3A_131 = arith.addi %mul3A_2, %mul3A_130 : i32
      %dma_start3A_132 = arith.constant 0 : i32
      %dma_start3A_133 = tpu.memref_slice %arg6[%add3A_131, %dma_start3A_132] : memref<401408x16xf32, #tpu.memory_space<hbm>> -> memref<448x16xf32, #tpu.memory_space<hbm>>
      %dma_start3A_134 = arith.constant 0 : i32
      %dma_start3A_135 = tpu.memref_slice %arg6[%add3A_131, %dma_start3A_134] : memref<401408x16xf32, #tpu.memory_space<hbm>> -> memref<448x16xf32, #tpu.memory_space<hbm>>
      tpu.enqueue_dma source(%arg11 : memref<448x16xf32, #tpu.memory_space<vmem>>) target(%dma_start3A_135 : memref<448x16xf32, #tpu.memory_space<hbm>>) target_semaphore(%arg19 : memref<!tpu.dma_semaphore, #tpu.memory_space<semaphore_mem>>)
      %dma_wait3A_136 = arith.constant 0 : i32
      %dma_wait3A_137 = arith.constant 0 : i32
      %dma_wait3A_138 = tpu.memref_slice %arg5[%dma_wait3A_136, %dma_wait3A_137] : memref<401408x64xf32, #tpu.memory_space<hbm>> -> memref<448x64xf32, #tpu.memory_space<hbm>>
      %dma_wait3A_139 = arith.constant 0 : i32
      %dma_wait3A_140 = arith.constant 0 : i32
      %dma_wait3A_141 = tpu.memref_slice %arg5[%dma_wait3A_139, %dma_wait3A_140] : memref<401408x64xf32, #tpu.memory_space<hbm>> -> memref<448x64xf32, #tpu.memory_space<hbm>>
      tpu.wait_dma2 semaphore(%arg17 : memref<!tpu.dma_semaphore, #tpu.memory_space<semaphore_mem>>) src(%arg9 : memref<448x64xf32, #tpu.memory_space<vmem>>) dst(%dma_wait3A_141 : memref<448x64xf32, #tpu.memory_space<hbm>>)
      %dma_wait3A_142 = arith.constant 0 : i32
      %dma_wait3A_143 = arith.constant 0 : i32
      %dma_wait3A_144 = tpu.memref_slice %arg6[%dma_wait3A_142, %dma_wait3A_143] : memref<401408x16xf32, #tpu.memory_space<hbm>> -> memref<448x16xf32, #tpu.memory_space<hbm>>
      %dma_wait3A_145 = arith.constant 0 : i32
      %dma_wait3A_146 = arith.constant 0 : i32
      %dma_wait3A_147 = tpu.memref_slice %arg6[%dma_wait3A_145, %dma_wait3A_146] : memref<401408x16xf32, #tpu.memory_space<hbm>> -> memref<448x16xf32, #tpu.memory_space<hbm>>
      tpu.wait_dma2 semaphore(%arg19 : memref<!tpu.dma_semaphore, #tpu.memory_space<semaphore_mem>>) src(%arg11 : memref<448x16xf32, #tpu.memory_space<vmem>>) dst(%dma_wait3A_147 : memref<448x16xf32, #tpu.memory_space<hbm>>)
      %mul3A_148 = arith.constant 448 : i32
      %mul3A_149 = arith.muli %add3A_102, %mul3A_148 : i32
      %add3A_150 = arith.addi %mul3A_2, %mul3A_149 : i32
      "tpu.region"() ({
        %run_scoped3A = tpu.sem_alloc : memref<!tpu.dma_semaphore, #tpu.memory_space<semaphore_mem>>
        %dma_start3A_177 = tpu.memref_slice %arg4[%add3A_150] : memref<401408xi32, #tpu.memory_space<hbm>> -> memref<448xi32, #tpu.memory_space<hbm>>
        %dma_start3A_178 = tpu.memref_slice %arg4[%add3A_150] : memref<401408xi32, #tpu.memory_space<hbm>> -> memref<448xi32, #tpu.memory_space<hbm>>
        tpu.enqueue_dma source(%dma_start3A_178 : memref<448xi32, #tpu.memory_space<hbm>>) target(%arg7 : memref<448xi32, #tpu.memory_space<vmem>>) target_semaphore(%run_scoped3A : memref<!tpu.dma_semaphore, #tpu.memory_space<semaphore_mem>>)
        %dma_wait3A_179 = tpu.memref_slice %arg4[%add3A_150] : memref<401408xi32, #tpu.memory_space<hbm>> -> memref<448xi32, #tpu.memory_space<hbm>>
        %dma_wait3A_180 = tpu.memref_slice %arg4[%add3A_150] : memref<401408xi32, #tpu.memory_space<hbm>> -> memref<448xi32, #tpu.memory_space<hbm>>
        tpu.wait_dma2 semaphore(%run_scoped3A : memref<!tpu.dma_semaphore, #tpu.memory_space<semaphore_mem>>) src(%dma_wait3A_180 : memref<448xi32, #tpu.memory_space<hbm>>) dst(%arg7 : memref<448xi32, #tpu.memory_space<vmem>>)
        tpu.yield
      }) : () -> ()
      %dma_start3A_151 = arith.constant 0 : i32
      %dma_start3A_152 = arith.constant 0 : i32
      %dma_start3A_153 = tpu.memref_slice %arg2[%dma_start3A_151, %dma_start3A_152] : memref<50001x64xf32, #tpu.memory_space<hbm>> -> memref<50001x64xf32, #tpu.memory_space<hbm>>
      tpu.enqueue_indirect_dma source(%dma_start3A_153 : memref<50001x64xf32, #tpu.memory_space<hbm>>) target(%arg9 : memref<448x64xf32, #tpu.memory_space<vmem>>) offsets(%arg7 : memref<448xi32, #tpu.memory_space<vmem>>) semaphore(%arg13 : memref<!tpu.dma_semaphore, #tpu.memory_space<semaphore_mem>>)
      %dma_start3A_154 = arith.constant 0 : i32
      %dma_start3A_155 = arith.constant 0 : i32
      %dma_start3A_156 = tpu.memref_slice %arg3[%dma_start3A_154, %dma_start3A_155] : memref<50001x16xf32, #tpu.memory_space<hbm>> -> memref<50001x16xf32, #tpu.memory_space<hbm>>
      tpu.enqueue_indirect_dma source(%dma_start3A_156 : memref<50001x16xf32, #tpu.memory_space<hbm>>) target(%arg11 : memref<448x16xf32, #tpu.memory_space<vmem>>) offsets(%arg7 : memref<448xi32, #tpu.memory_space<vmem>>) semaphore(%arg15 : memref<!tpu.dma_semaphore, #tpu.memory_space<semaphore_mem>>)
      %dma_wait3A_157 = arith.constant 0 : i32
      %dma_wait3A_158 = arith.constant 0 : i32
      %dma_wait3A_159 = tpu.memref_slice %arg2[%dma_wait3A_157, %dma_wait3A_158] : memref<50001x64xf32, #tpu.memory_space<hbm>> -> memref<50001x64xf32, #tpu.memory_space<hbm>>
      tpu.wait_indirect_dma semaphore(%arg14 : memref<!tpu.dma_semaphore, #tpu.memory_space<semaphore_mem>>) src(%dma_wait3A_159 : memref<50001x64xf32, #tpu.memory_space<hbm>>) dst(%arg10 : memref<448x64xf32, #tpu.memory_space<vmem>>)
      %dma_wait3A_160 = arith.constant 0 : i32
      %dma_wait3A_161 = arith.constant 0 : i32
      %dma_wait3A_162 = tpu.memref_slice %arg3[%dma_wait3A_160, %dma_wait3A_161] : memref<50001x16xf32, #tpu.memory_space<hbm>> -> memref<50001x16xf32, #tpu.memory_space<hbm>>
      tpu.wait_indirect_dma semaphore(%arg16 : memref<!tpu.dma_semaphore, #tpu.memory_space<semaphore_mem>>) src(%dma_wait3A_162 : memref<50001x16xf32, #tpu.memory_space<hbm>>) dst(%arg12 : memref<448x16xf32, #tpu.memory_space<vmem>>)
      %mul3A_163 = arith.constant 448 : i32
      %mul3A_164 = arith.muli %add3A_98, %mul3A_163 : i32
      %add3A_165 = arith.addi %mul3A_2, %mul3A_164 : i32
      %dma_start3A_166 = arith.constant 0 : i32
      %dma_start3A_167 = tpu.memref_slice %arg5[%add3A_165, %dma_start3A_166] : memref<401408x64xf32, #tpu.memory_space<hbm>> -> memref<448x64xf32, #tpu.memory_space<hbm>>
      %dma_start3A_168 = arith.constant 0 : i32
      %dma_start3A_169 = tpu.memref_slice %arg5[%add3A_165, %dma_start3A_168] : memref<401408x64xf32, #tpu.memory_space<hbm>> -> memref<448x64xf32, #tpu.memory_space<hbm>>
      tpu.enqueue_dma source(%arg10 : memref<448x64xf32, #tpu.memory_space<vmem>>) target(%dma_start3A_169 : memref<448x64xf32, #tpu.memory_space<hbm>>) target_semaphore(%arg18 : memref<!tpu.dma_semaphore, #tpu.memory_space<semaphore_mem>>)
      %mul3A_170 = arith.constant 448 : i32
      %mul3A_171 = arith.muli %add3A_98, %mul3A_170 : i32
      %add3A_172 = arith.addi %mul3A_2, %mul3A_171 : i32
      %dma_start3A_173 = arith.constant 0 : i32
      %dma_start3A_174 = tpu.memref_slice %arg6[%add3A_172, %dma_start3A_173] : memref<401408x16xf32, #tpu.memory_space<hbm>> -> memref<448x16xf32, #tpu.memory_space<hbm>>
      %dma_start3A_175 = arith.constant 0 : i32
      %dma_start3A_176 = tpu.memref_slice %arg6[%add3A_172, %dma_start3A_175] : memref<401408x16xf32, #tpu.memory_space<hbm>> -> memref<448x16xf32, #tpu.memory_space<hbm>>
      tpu.enqueue_dma source(%arg12 : memref<448x16xf32, #tpu.memory_space<vmem>>) target(%dma_start3A_176 : memref<448x16xf32, #tpu.memory_space<hbm>>) target_semaphore(%arg20 : memref<!tpu.dma_semaphore, #tpu.memory_space<semaphore_mem>>)
    }
    %scan3A_14 = arith.constant 13 : i32
    %dma_wait3A = arith.constant 0 : i32
    %dma_wait3A_15 = arith.constant 0 : i32
    %dma_wait3A_16 = tpu.memref_slice %arg5[%dma_wait3A, %dma_wait3A_15] : memref<401408x64xf32, #tpu.memory_space<hbm>> -> memref<448x64xf32, #tpu.memory_space<hbm>>
    %dma_wait3A_17 = arith.constant 0 : i32
    %dma_wait3A_18 = arith.constant 0 : i32
    %dma_wait3A_19 = tpu.memref_slice %arg5[%dma_wait3A_17, %dma_wait3A_18] : memref<401408x64xf32, #tpu.memory_space<hbm>> -> memref<448x64xf32, #tpu.memory_space<hbm>>
    tpu.wait_dma2 semaphore(%arg18 : memref<!tpu.dma_semaphore, #tpu.memory_space<semaphore_mem>>) src(%arg10 : memref<448x64xf32, #tpu.memory_space<vmem>>) dst(%dma_wait3A_19 : memref<448x64xf32, #tpu.memory_space<hbm>>)
    %dma_wait3A_20 = arith.constant 0 : i32
    %dma_wait3A_21 = arith.constant 0 : i32
    %dma_wait3A_22 = tpu.memref_slice %arg6[%dma_wait3A_20, %dma_wait3A_21] : memref<401408x16xf32, #tpu.memory_space<hbm>> -> memref<448x16xf32, #tpu.memory_space<hbm>>
    %dma_wait3A_23 = arith.constant 0 : i32
    %dma_wait3A_24 = arith.constant 0 : i32
    %dma_wait3A_25 = tpu.memref_slice %arg6[%dma_wait3A_23, %dma_wait3A_24] : memref<401408x16xf32, #tpu.memory_space<hbm>> -> memref<448x16xf32, #tpu.memory_space<hbm>>
    tpu.wait_dma2 semaphore(%arg20 : memref<!tpu.dma_semaphore, #tpu.memory_space<semaphore_mem>>) src(%arg12 : memref<448x16xf32, #tpu.memory_space<vmem>>) dst(%dma_wait3A_25 : memref<448x16xf32, #tpu.memory_space<hbm>>)
    %add3A_26 = arith.constant 12096 : i32
    %add3A_27 = arith.addi %mul3A_2, %add3A_26 : i32
    "tpu.region"() ({
      %run_scoped3A = tpu.sem_alloc : memref<!tpu.dma_semaphore, #tpu.memory_space<semaphore_mem>>
      %dma_start3A_94 = tpu.memref_slice %arg4[%add3A_27] : memref<401408xi32, #tpu.memory_space<hbm>> -> memref<448xi32, #tpu.memory_space<hbm>>
      %dma_start3A_95 = tpu.memref_slice %arg4[%add3A_27] : memref<401408xi32, #tpu.memory_space<hbm>> -> memref<448xi32, #tpu.memory_space<hbm>>
      tpu.enqueue_dma source(%dma_start3A_95 : memref<448xi32, #tpu.memory_space<hbm>>) target(%arg8 : memref<448xi32, #tpu.memory_space<vmem>>) target_semaphore(%run_scoped3A : memref<!tpu.dma_semaphore, #tpu.memory_space<semaphore_mem>>)
      %dma_wait3A_96 = tpu.memref_slice %arg4[%add3A_27] : memref<401408xi32, #tpu.memory_space<hbm>> -> memref<448xi32, #tpu.memory_space<hbm>>
      %dma_wait3A_97 = tpu.memref_slice %arg4[%add3A_27] : memref<401408xi32, #tpu.memory_space<hbm>> -> memref<448xi32, #tpu.memory_space<hbm>>
      tpu.wait_dma2 semaphore(%run_scoped3A : memref<!tpu.dma_semaphore, #tpu.memory_space<semaphore_mem>>) src(%dma_wait3A_97 : memref<448xi32, #tpu.memory_space<hbm>>) dst(%arg8 : memref<448xi32, #tpu.memory_space<vmem>>)
      tpu.yield
    }) : () -> ()
    %dma_start3A_28 = arith.constant 0 : i32
    %dma_start3A_29 = arith.constant 0 : i32
    %dma_start3A_30 = tpu.memref_slice %arg2[%dma_start3A_28, %dma_start3A_29] : memref<50001x64xf32, #tpu.memory_space<hbm>> -> memref<50001x64xf32, #tpu.memory_space<hbm>>
    tpu.enqueue_indirect_dma source(%dma_start3A_30 : memref<50001x64xf32, #tpu.memory_space<hbm>>) target(%arg10 : memref<448x64xf32, #tpu.memory_space<vmem>>) offsets(%arg8 : memref<448xi32, #tpu.memory_space<vmem>>) semaphore(%arg14 : memref<!tpu.dma_semaphore, #tpu.memory_space<semaphore_mem>>)
    %dma_start3A_31 = arith.constant 0 : i32
    %dma_start3A_32 = arith.constant 0 : i32
    %dma_start3A_33 = tpu.memref_slice %arg3[%dma_start3A_31, %dma_start3A_32] : memref<50001x16xf32, #tpu.memory_space<hbm>> -> memref<50001x16xf32, #tpu.memory_space<hbm>>
    tpu.enqueue_indirect_dma source(%dma_start3A_33 : memref<50001x16xf32, #tpu.memory_space<hbm>>) target(%arg12 : memref<448x16xf32, #tpu.memory_space<vmem>>) offsets(%arg8 : memref<448xi32, #tpu.memory_space<vmem>>) semaphore(%arg16 : memref<!tpu.dma_semaphore, #tpu.memory_space<semaphore_mem>>)
    %dma_wait3A_34 = arith.constant 0 : i32
    %dma_wait3A_35 = arith.constant 0 : i32
    %dma_wait3A_36 = tpu.memref_slice %arg2[%dma_wait3A_34, %dma_wait3A_35] : memref<50001x64xf32, #tpu.memory_space<hbm>> -> memref<50001x64xf32, #tpu.memory_space<hbm>>
    tpu.wait_indirect_dma semaphore(%arg13 : memref<!tpu.dma_semaphore, #tpu.memory_space<semaphore_mem>>) src(%dma_wait3A_36 : memref<50001x64xf32, #tpu.memory_space<hbm>>) dst(%arg9 : memref<448x64xf32, #tpu.memory_space<vmem>>)
    %dma_wait3A_37 = arith.constant 0 : i32
    %dma_wait3A_38 = arith.constant 0 : i32
    %dma_wait3A_39 = tpu.memref_slice %arg3[%dma_wait3A_37, %dma_wait3A_38] : memref<50001x16xf32, #tpu.memory_space<hbm>> -> memref<50001x16xf32, #tpu.memory_space<hbm>>
    tpu.wait_indirect_dma semaphore(%arg15 : memref<!tpu.dma_semaphore, #tpu.memory_space<semaphore_mem>>) src(%dma_wait3A_39 : memref<50001x16xf32, #tpu.memory_space<hbm>>) dst(%arg11 : memref<448x16xf32, #tpu.memory_space<vmem>>)
    %add3A_40 = arith.constant 11648 : i32
    %add3A_41 = arith.addi %mul3A_2, %add3A_40 : i32
    %dma_start3A_42 = arith.constant 0 : i32
    %dma_start3A_43 = tpu.memref_slice %arg5[%add3A_41, %dma_start3A_42] : memref<401408x64xf32, #tpu.memory_space<hbm>> -> memref<448x64xf32, #tpu.memory_space<hbm>>
    %dma_start3A_44 = arith.constant 0 : i32
    %dma_start3A_45 = tpu.memref_slice %arg5[%add3A_41, %dma_start3A_44] : memref<401408x64xf32, #tpu.memory_space<hbm>> -> memref<448x64xf32, #tpu.memory_space<hbm>>
    tpu.enqueue_dma source(%arg9 : memref<448x64xf32, #tpu.memory_space<vmem>>) target(%dma_start3A_45 : memref<448x64xf32, #tpu.memory_space<hbm>>) target_semaphore(%arg17 : memref<!tpu.dma_semaphore, #tpu.memory_space<semaphore_mem>>)
    %add3A_46 = arith.constant 11648 : i32
    %add3A_47 = arith.addi %mul3A_2, %add3A_46 : i32
    %dma_start3A_48 = arith.constant 0 : i32
    %dma_start3A_49 = tpu.memref_slice %arg6[%add3A_47, %dma_start3A_48] : memref<401408x16xf32, #tpu.memory_space<hbm>> -> memref<448x16xf32, #tpu.memory_space<hbm>>
    %dma_start3A_50 = arith.constant 0 : i32
    %dma_start3A_51 = tpu.memref_slice %arg6[%add3A_47, %dma_start3A_50] : memref<401408x16xf32, #tpu.memory_space<hbm>> -> memref<448x16xf32, #tpu.memory_space<hbm>>
    tpu.enqueue_dma source(%arg11 : memref<448x16xf32, #tpu.memory_space<vmem>>) target(%dma_start3A_51 : memref<448x16xf32, #tpu.memory_space<hbm>>) target_semaphore(%arg19 : memref<!tpu.dma_semaphore, #tpu.memory_space<semaphore_mem>>)
    %dma_wait3A_52 = arith.constant 0 : i32
    %dma_wait3A_53 = arith.constant 0 : i32
    %dma_wait3A_54 = tpu.memref_slice %arg2[%dma_wait3A_52, %dma_wait3A_53] : memref<50001x64xf32, #tpu.memory_space<hbm>> -> memref<50001x64xf32, #tpu.memory_space<hbm>>
    tpu.wait_indirect_dma semaphore(%arg14 : memref<!tpu.dma_semaphore, #tpu.memory_space<semaphore_mem>>) src(%dma_wait3A_54 : memref<50001x64xf32, #tpu.memory_space<hbm>>) dst(%arg10 : memref<448x64xf32, #tpu.memory_space<vmem>>)
    %dma_wait3A_55 = arith.constant 0 : i32
    %dma_wait3A_56 = arith.constant 0 : i32
    %dma_wait3A_57 = tpu.memref_slice %arg3[%dma_wait3A_55, %dma_wait3A_56] : memref<50001x16xf32, #tpu.memory_space<hbm>> -> memref<50001x16xf32, #tpu.memory_space<hbm>>
    tpu.wait_indirect_dma semaphore(%arg16 : memref<!tpu.dma_semaphore, #tpu.memory_space<semaphore_mem>>) src(%dma_wait3A_57 : memref<50001x16xf32, #tpu.memory_space<hbm>>) dst(%arg12 : memref<448x16xf32, #tpu.memory_space<vmem>>)
    %add3A_58 = arith.constant 12096 : i32
    %add3A_59 = arith.addi %mul3A_2, %add3A_58 : i32
    %dma_start3A_60 = arith.constant 0 : i32
    %dma_start3A_61 = tpu.memref_slice %arg5[%add3A_59, %dma_start3A_60] : memref<401408x64xf32, #tpu.memory_space<hbm>> -> memref<448x64xf32, #tpu.memory_space<hbm>>
    %dma_start3A_62 = arith.constant 0 : i32
    %dma_start3A_63 = tpu.memref_slice %arg5[%add3A_59, %dma_start3A_62] : memref<401408x64xf32, #tpu.memory_space<hbm>> -> memref<448x64xf32, #tpu.memory_space<hbm>>
    tpu.enqueue_dma source(%arg10 : memref<448x64xf32, #tpu.memory_space<vmem>>) target(%dma_start3A_63 : memref<448x64xf32, #tpu.memory_space<hbm>>) target_semaphore(%arg18 : memref<!tpu.dma_semaphore, #tpu.memory_space<semaphore_mem>>)
    %add3A_64 = arith.constant 12096 : i32
    %add3A_65 = arith.addi %mul3A_2, %add3A_64 : i32
    %dma_start3A_66 = arith.constant 0 : i32
    %dma_start3A_67 = tpu.memref_slice %arg6[%add3A_65, %dma_start3A_66] : memref<401408x16xf32, #tpu.memory_space<hbm>> -> memref<448x16xf32, #tpu.memory_space<hbm>>
    %dma_start3A_68 = arith.constant 0 : i32
    %dma_start3A_69 = tpu.memref_slice %arg6[%add3A_65, %dma_start3A_68] : memref<401408x16xf32, #tpu.memory_space<hbm>> -> memref<448x16xf32, #tpu.memory_space<hbm>>
    tpu.enqueue_dma source(%arg12 : memref<448x16xf32, #tpu.memory_space<vmem>>) target(%dma_start3A_69 : memref<448x16xf32, #tpu.memory_space<hbm>>) target_semaphore(%arg20 : memref<!tpu.dma_semaphore, #tpu.memory_space<semaphore_mem>>)
    %dma_wait3A_70 = arith.constant 0 : i32
    %dma_wait3A_71 = arith.constant 0 : i32
    %dma_wait3A_72 = tpu.memref_slice %arg5[%dma_wait3A_70, %dma_wait3A_71] : memref<401408x64xf32, #tpu.memory_space<hbm>> -> memref<448x64xf32, #tpu.memory_space<hbm>>
    %dma_wait3A_73 = arith.constant 0 : i32
    %dma_wait3A_74 = arith.constant 0 : i32
    %dma_wait3A_75 = tpu.memref_slice %arg5[%dma_wait3A_73, %dma_wait3A_74] : memref<401408x64xf32, #tpu.memory_space<hbm>> -> memref<448x64xf32, #tpu.memory_space<hbm>>
    tpu.wait_dma2 semaphore(%arg17 : memref<!tpu.dma_semaphore, #tpu.memory_space<semaphore_mem>>) src(%arg9 : memref<448x64xf32, #tpu.memory_space<vmem>>) dst(%dma_wait3A_75 : memref<448x64xf32, #tpu.memory_space<hbm>>)
    %dma_wait3A_76 = arith.constant 0 : i32
    %dma_wait3A_77 = arith.constant 0 : i32
    %dma_wait3A_78 = tpu.memref_slice %arg6[%dma_wait3A_76, %dma_wait3A_77] : memref<401408x16xf32, #tpu.memory_space<hbm>> -> memref<448x16xf32, #tpu.memory_space<hbm>>
    %dma_wait3A_79 = arith.constant 0 : i32
    %dma_wait3A_80 = arith.constant 0 : i32
    %dma_wait3A_81 = tpu.memref_slice %arg6[%dma_wait3A_79, %dma_wait3A_80] : memref<401408x16xf32, #tpu.memory_space<hbm>> -> memref<448x16xf32, #tpu.memory_space<hbm>>
    tpu.wait_dma2 semaphore(%arg19 : memref<!tpu.dma_semaphore, #tpu.memory_space<semaphore_mem>>) src(%arg11 : memref<448x16xf32, #tpu.memory_space<vmem>>) dst(%dma_wait3A_81 : memref<448x16xf32, #tpu.memory_space<hbm>>)
    %dma_wait3A_82 = arith.constant 0 : i32
    %dma_wait3A_83 = arith.constant 0 : i32
    %dma_wait3A_84 = tpu.memref_slice %arg5[%dma_wait3A_82, %dma_wait3A_83] : memref<401408x64xf32, #tpu.memory_space<hbm>> -> memref<448x64xf32, #tpu.memory_space<hbm>>
    %dma_wait3A_85 = arith.constant 0 : i32
    %dma_wait3A_86 = arith.constant 0 : i32
    %dma_wait3A_87 = tpu.memref_slice %arg5[%dma_wait3A_85, %dma_wait3A_86] : memref<401408x64xf32, #tpu.memory_space<hbm>> -> memref<448x64xf32, #tpu.memory_space<hbm>>
    tpu.wait_dma2 semaphore(%arg18 : memref<!tpu.dma_semaphore, #tpu.memory_space<semaphore_mem>>) src(%arg10 : memref<448x64xf32, #tpu.memory_space<vmem>>) dst(%dma_wait3A_87 : memref<448x64xf32, #tpu.memory_space<hbm>>)
    %dma_wait3A_88 = arith.constant 0 : i32
    %dma_wait3A_89 = arith.constant 0 : i32
    %dma_wait3A_90 = tpu.memref_slice %arg6[%dma_wait3A_88, %dma_wait3A_89] : memref<401408x16xf32, #tpu.memory_space<hbm>> -> memref<448x16xf32, #tpu.memory_space<hbm>>
    %dma_wait3A_91 = arith.constant 0 : i32
    %dma_wait3A_92 = arith.constant 0 : i32
    %dma_wait3A_93 = tpu.memref_slice %arg6[%dma_wait3A_91, %dma_wait3A_92] : memref<401408x16xf32, #tpu.memory_space<hbm>> -> memref<448x16xf32, #tpu.memory_space<hbm>>
    tpu.wait_dma2 semaphore(%arg20 : memref<!tpu.dma_semaphore, #tpu.memory_space<semaphore_mem>>) src(%arg12 : memref<448x16xf32, #tpu.memory_space<vmem>>) dst(%dma_wait3A_93 : memref<448x16xf32, #tpu.memory_space<hbm>>)
    return
  }
}

module attributes {stable_mosaic.version = 14 : i64} {
  func.func @_tc_body(%arg0: i32, %arg1: memref<128x16xf32, #tpu.memory_space<vmem>>, %arg2: memref<256x512xf32, #tpu.memory_space<vmem>>, %arg3: memref<256x128xf32, #tpu.memory_space<vmem>>, %arg4: memref<128x128xf32, #tpu.memory_space<vmem>>, %arg5: memref<128x128xf32, #tpu.memory_space<vmem>>, %arg6: memref<256x128xf32, #tpu.memory_space<vmem>>, %arg7: memref<16x128xf32, #tpu.memory_space<vmem>>, %arg8: memref<8x128x1024xbf16, #tpu.memory_space<vmem>>, %arg9: memref<8x1024x64xbf16, #tpu.memory_space<vmem>>, %arg10: memref<128x64xf32, #tpu.memory_space<vmem>>) attributes {dimension_semantics = [#tpu.dimension_semantics<arbitrary>], iteration_bounds = array<i64: 196>, scalar_prefetch = 0 : i64, scratch_operands = 0 : i64, tpu.core_type = #tpu.core_type<tc>, window_params = [{transform_indices = @transform_0, window_bounds = array<i64: 128, 16>}, {transform_indices = @transform_1, window_bounds = array<i64: 256, 512>}, {transform_indices = @transform_2, window_bounds = array<i64: 256, 128>}, {pipeline_mode = #tpu.pipeline_mode<synchronous>, transform_indices = @transform_3, window_bounds = array<i64: 128, 128>}, {pipeline_mode = #tpu.pipeline_mode<synchronous>, transform_indices = @transform_4, window_bounds = array<i64: 128, 128>}, {pipeline_mode = #tpu.pipeline_mode<synchronous>, transform_indices = @transform_5, window_bounds = array<i64: 256, 128>}, {pipeline_mode = #tpu.pipeline_mode<synchronous>, transform_indices = @transform_6, window_bounds = array<i64: 16, 128>}, {pipeline_mode = #tpu.pipeline_mode<synchronous>, transform_indices = @transform_7, window_bounds = array<i64: 8, 128, 1024>}, {pipeline_mode = #tpu.pipeline_mode<synchronous>, transform_indices = @transform_8, window_bounds = array<i64: 8, 1024, 64>}, {transform_indices = @transform_9, window_bounds = array<i64: 128, 64>}]} {
    %get3A = arith.constant 0 : index
    %get3A_0 = arith.constant 0 : index
    %get3A_1 = vector.load %arg2[%get3A, %get3A_0] : memref<256x512xf32, #tpu.memory_space<vmem>>, vector<256x512xf32>
    %get3A_2 = arith.constant 0 : index
    %get3A_3 = arith.constant 0 : index
    %get3A_4 = vector.load %arg3[%get3A_2, %get3A_3] : memref<256x128xf32, #tpu.memory_space<vmem>>, vector<256x128xf32>
    %get3A_5 = arith.constant 0 : index
    %get3A_6 = arith.constant 0 : index
    %get3A_7 = vector.load %arg1[%get3A_5, %get3A_6] : memref<128x16xf32, #tpu.memory_space<vmem>>, vector<128x16xf32>
    %get3A_8 = arith.constant 0 : index
    %get3A_9 = arith.constant 0 : index
    %get3A_10 = vector.load %arg7[%get3A_8, %get3A_9] : memref<16x128xf32, #tpu.memory_space<vmem>>, vector<16x128xf32>
    %dot_general3A = arith.constant dense<0.000000e+00> : vector<128x128xf32>
    %dot_general3A_11 = tpu.matmul %get3A_7, %get3A_10, %dot_general3A {dimension_numbers = #tpu.dot_dimension_numbers<[1], [0], [0], [1], [0, 0, 1, 1], [], []>, precision = #tpu.contract_precision<fp32>, transpose_lhs_hint = false} : vector<128x16xf32>, vector<16x128xf32>, vector<128x128xf32> -> vector<128x128xf32>
    %get3A_12 = arith.constant 0 : index
    %get3A_13 = arith.constant 0 : index
    %get3A_14 = vector.load %arg6[%get3A_12, %get3A_13] : memref<256x128xf32, #tpu.memory_space<vmem>>, vector<256x128xf32>
    %dot_general3A_15 = arith.constant dense<0.000000e+00> : vector<256x128xf32>
    %dot_general3A_16 = tpu.matmul %get3A_14, %dot_general3A_11, %dot_general3A_15 {dimension_numbers = #tpu.dot_dimension_numbers<[1], [0], [0], [1], [0, 0, 1, 1], [], []>, precision = #tpu.contract_precision<fp32>, transpose_lhs_hint = false} : vector<256x128xf32>, vector<128x128xf32>, vector<256x128xf32> -> vector<256x128xf32>
    %sub3A = arith.subf %get3A_4, %dot_general3A_16 : vector<256x128xf32>
    %mul3A = arith.mulf %sub3A, %sub3A : vector<256x128xf32>
    %get3A_17 = arith.constant 0 : index
    %get3A_18 = arith.constant 0 : index
    %get3A_19 = vector.load %arg5[%get3A_17, %get3A_18] : memref<128x128xf32, #tpu.memory_space<vmem>>, vector<128x128xf32>
    %dot_general3A_20 = arith.constant dense<0.000000e+00> : vector<256x128xf32>
    %dot_general3A_21 = tpu.matmul %mul3A, %get3A_19, %dot_general3A_20 {dimension_numbers = #tpu.dot_dimension_numbers<[1], [0], [0], [1], [0, 0, 1, 1], [], []>, precision = #tpu.contract_precision<fp32>, transpose_lhs_hint = false} : vector<256x128xf32>, vector<128x128xf32>, vector<256x128xf32> -> vector<256x128xf32>
    %get3A_22 = arith.constant 0 : index
    %get3A_23 = arith.constant 0 : index
    %get3A_24 = vector.load %arg4[%get3A_22, %get3A_23] : memref<128x128xf32, #tpu.memory_space<vmem>>, vector<128x128xf32>
    %dot_general3A_25 = arith.constant dense<0.000000e+00> : vector<256x128xf32>
    %dot_general3A_26 = tpu.matmul %sub3A, %get3A_24, %dot_general3A_25 {dimension_numbers = #tpu.dot_dimension_numbers<[1], [0], [0], [1], [0, 0, 1, 1], [], []>, precision = #tpu.contract_precision<fp32>, transpose_lhs_hint = false} : vector<256x128xf32>, vector<128x128xf32>, vector<256x128xf32> -> vector<256x128xf32>
    %mul3A_27 = arith.mulf %get3A_24, %get3A_24 : vector<128x128xf32>
    %reduce_sum3A = arith.constant dense<0.000000e+00> : vector<128xf32>
    %reduce_sum3A_28 = vector.multi_reduction <add>, %mul3A_27, %reduce_sum3A [0] : vector<128x128xf32> to vector<128xf32>
    %broadcast_in_dim3A = vector.shape_cast %reduce_sum3A_28 : vector<128xf32> to vector<1x128xf32>
    %mul3A_29 = arith.constant 2.000000e+00 : f32
    %mul3A_30 = vector.broadcast %mul3A_29 : f32 to vector<256x128xf32>
    %mul3A_31 = arith.mulf %mul3A_30, %dot_general3A_26 : vector<256x128xf32>
    %sub3A_32 = arith.subf %dot_general3A_21, %mul3A_31 : vector<256x128xf32>
    %add3A = vector.broadcast %broadcast_in_dim3A : vector<1x128xf32> to vector<256x128xf32>
    %add3A_33 = arith.addf %sub3A_32, %add3A : vector<256x128xf32>
    %max3A = arith.constant 0.000000e+00 : f32
    %max3A_34 = vector.broadcast %max3A : f32 to vector<256x128xf32>
    %max3A_35 = arith.maximumf %add3A_33, %max3A_34 : vector<256x128xf32>
    %sqrt3A = math.sqrt %max3A_35 : vector<256x128xf32>
    %mul3A_36 = arith.constant 0.833333313 : f32
    %mul3A_37 = vector.broadcast %mul3A_36 : f32 to vector<256x128xf32>
    %mul3A_38 = arith.mulf %sqrt3A, %mul3A_37 : vector<256x128xf32>
    %sub3A_39 = arith.constant 1.000000e+00 : f32
    %sub3A_40 = vector.broadcast %sub3A_39 : f32 to vector<256x128xf32>
    %sub3A_41 = arith.subf %sub3A_40, %mul3A_38 : vector<256x128xf32>
    %max3A_42 = arith.constant 0.000000e+00 : f32
    %max3A_43 = vector.broadcast %max3A_42 : f32 to vector<256x128xf32>
    %max3A_44 = arith.maximumf %sub3A_41, %max3A_43 : vector<256x128xf32>
    %convert_element_type3A = arith.truncf %max3A_44 : vector<256x128xf32> to vector<256x128xbf16>
    %convert_element_type3A_45 = arith.truncf %get3A_1 : vector<256x512xf32> to vector<256x512xbf16>
    %concatenate3A = tpu.concatenate %convert_element_type3A_45, %convert_element_type3A_45 in 1 : vector<256x512xbf16>, vector<256x512xbf16> -> vector<256x1024xbf16>
    %broadcast_in_dim3A_46 = arith.constant 0.000000e+00 : f32
    %broadcast_in_dim3A_47 = vector.broadcast %broadcast_in_dim3A_46 : f32 to vector<256x64xf32>
    %get3A_48 = arith.constant 0 : index
    %get3A_49 = arith.constant 0 : index
    %get3A_50 = arith.constant 0 : index
    %get3A_51 = vector.load %arg8[%get3A_48, %get3A_49, %get3A_50] : memref<8x128x1024xbf16, #tpu.memory_space<vmem>>, vector<1x128x1024xbf16>
    %get3A_52 = vector.shape_cast %get3A_51 : vector<1x128x1024xbf16> to vector<128x1024xbf16>
    %dot_general3A_53 = arith.constant dense<0.000000e+00> : vector<256x1024xf32>
    %dot_general3A_54 = tpu.matmul %convert_element_type3A, %get3A_52, %dot_general3A_53 {dimension_numbers = #tpu.dot_dimension_numbers<[1], [0], [0], [1], [0, 0, 1, 1], [], []>, transpose_lhs_hint = false} : vector<256x128xbf16>, vector<128x1024xbf16>, vector<256x1024xf32> -> vector<256x1024xf32>
    %convert_element_type3A_55 = arith.truncf %dot_general3A_54 : vector<256x1024xf32> to vector<256x1024xbf16>
    %mul3A_56 = arith.mulf %convert_element_type3A_55, %concatenate3A : vector<256x1024xbf16>
    %get3A_57 = arith.constant 0 : index
    %get3A_58 = arith.constant 0 : index
    %get3A_59 = arith.constant 0 : index
    %get3A_60 = vector.load %arg9[%get3A_57, %get3A_58, %get3A_59] : memref<8x1024x64xbf16, #tpu.memory_space<vmem>>, vector<1x1024x64xbf16>
    %get3A_61 = vector.shape_cast %get3A_60 : vector<1x1024x64xbf16> to vector<1024x64xbf16>
    %dot_general3A_62 = arith.constant dense<0.000000e+00> : vector<256x64xf32>
    %dot_general3A_63 = tpu.matmul %mul3A_56, %get3A_61, %dot_general3A_62 {dimension_numbers = #tpu.dot_dimension_numbers<[1], [0], [0], [1], [0, 0, 1, 1], [], []>, transpose_lhs_hint = false} : vector<256x1024xbf16>, vector<1024x64xbf16>, vector<256x64xf32> -> vector<256x64xf32>
    %add3A_64 = arith.addf %broadcast_in_dim3A_47, %dot_general3A_63 : vector<256x64xf32>
    %get3A_65 = arith.constant 1 : index
    %get3A_66 = arith.constant 0 : index
    %get3A_67 = arith.constant 0 : index
    %get3A_68 = vector.load %arg8[%get3A_65, %get3A_66, %get3A_67] : memref<8x128x1024xbf16, #tpu.memory_space<vmem>>, vector<1x128x1024xbf16>
    %get3A_69 = vector.shape_cast %get3A_68 : vector<1x128x1024xbf16> to vector<128x1024xbf16>
    %dot_general3A_70 = arith.constant dense<0.000000e+00> : vector<256x1024xf32>
    %dot_general3A_71 = tpu.matmul %convert_element_type3A, %get3A_69, %dot_general3A_70 {dimension_numbers = #tpu.dot_dimension_numbers<[1], [0], [0], [1], [0, 0, 1, 1], [], []>, transpose_lhs_hint = false} : vector<256x128xbf16>, vector<128x1024xbf16>, vector<256x1024xf32> -> vector<256x1024xf32>
    %convert_element_type3A_72 = arith.truncf %dot_general3A_71 : vector<256x1024xf32> to vector<256x1024xbf16>
    %mul3A_73 = arith.mulf %convert_element_type3A_72, %concatenate3A : vector<256x1024xbf16>
    %get3A_74 = arith.constant 1 : index
    %get3A_75 = arith.constant 0 : index
    %get3A_76 = arith.constant 0 : index
    %get3A_77 = vector.load %arg9[%get3A_74, %get3A_75, %get3A_76] : memref<8x1024x64xbf16, #tpu.memory_space<vmem>>, vector<1x1024x64xbf16>
    %get3A_78 = vector.shape_cast %get3A_77 : vector<1x1024x64xbf16> to vector<1024x64xbf16>
    %dot_general3A_79 = arith.constant dense<0.000000e+00> : vector<256x64xf32>
    %dot_general3A_80 = tpu.matmul %mul3A_73, %get3A_78, %dot_general3A_79 {dimension_numbers = #tpu.dot_dimension_numbers<[1], [0], [0], [1], [0, 0, 1, 1], [], []>, transpose_lhs_hint = false} : vector<256x1024xbf16>, vector<1024x64xbf16>, vector<256x64xf32> -> vector<256x64xf32>
    %add3A_81 = arith.addf %add3A_64, %dot_general3A_80 : vector<256x64xf32>
    %get3A_82 = arith.constant 2 : index
    %get3A_83 = arith.constant 0 : index
    %get3A_84 = arith.constant 0 : index
    %get3A_85 = vector.load %arg8[%get3A_82, %get3A_83, %get3A_84] : memref<8x128x1024xbf16, #tpu.memory_space<vmem>>, vector<1x128x1024xbf16>
    %get3A_86 = vector.shape_cast %get3A_85 : vector<1x128x1024xbf16> to vector<128x1024xbf16>
    %dot_general3A_87 = arith.constant dense<0.000000e+00> : vector<256x1024xf32>
    %dot_general3A_88 = tpu.matmul %convert_element_type3A, %get3A_86, %dot_general3A_87 {dimension_numbers = #tpu.dot_dimension_numbers<[1], [0], [0], [1], [0, 0, 1, 1], [], []>, transpose_lhs_hint = false} : vector<256x128xbf16>, vector<128x1024xbf16>, vector<256x1024xf32> -> vector<256x1024xf32>
    %convert_element_type3A_89 = arith.truncf %dot_general3A_88 : vector<256x1024xf32> to vector<256x1024xbf16>
    %mul3A_90 = arith.mulf %convert_element_type3A_89, %concatenate3A : vector<256x1024xbf16>
    %get3A_91 = arith.constant 2 : index
    %get3A_92 = arith.constant 0 : index
    %get3A_93 = arith.constant 0 : index
    %get3A_94 = vector.load %arg9[%get3A_91, %get3A_92, %get3A_93] : memref<8x1024x64xbf16, #tpu.memory_space<vmem>>, vector<1x1024x64xbf16>
    %get3A_95 = vector.shape_cast %get3A_94 : vector<1x1024x64xbf16> to vector<1024x64xbf16>
    %dot_general3A_96 = arith.constant dense<0.000000e+00> : vector<256x64xf32>
    %dot_general3A_97 = tpu.matmul %mul3A_90, %get3A_95, %dot_general3A_96 {dimension_numbers = #tpu.dot_dimension_numbers<[1], [0], [0], [1], [0, 0, 1, 1], [], []>, transpose_lhs_hint = false} : vector<256x1024xbf16>, vector<1024x64xbf16>, vector<256x64xf32> -> vector<256x64xf32>
    %add3A_98 = arith.addf %add3A_81, %dot_general3A_97 : vector<256x64xf32>
    %get3A_99 = arith.constant 3 : index
    %get3A_100 = arith.constant 0 : index
    %get3A_101 = arith.constant 0 : index
    %get3A_102 = vector.load %arg8[%get3A_99, %get3A_100, %get3A_101] : memref<8x128x1024xbf16, #tpu.memory_space<vmem>>, vector<1x128x1024xbf16>
    %get3A_103 = vector.shape_cast %get3A_102 : vector<1x128x1024xbf16> to vector<128x1024xbf16>
    %dot_general3A_104 = arith.constant dense<0.000000e+00> : vector<256x1024xf32>
    %dot_general3A_105 = tpu.matmul %convert_element_type3A, %get3A_103, %dot_general3A_104 {dimension_numbers = #tpu.dot_dimension_numbers<[1], [0], [0], [1], [0, 0, 1, 1], [], []>, transpose_lhs_hint = false} : vector<256x128xbf16>, vector<128x1024xbf16>, vector<256x1024xf32> -> vector<256x1024xf32>
    %convert_element_type3A_106 = arith.truncf %dot_general3A_105 : vector<256x1024xf32> to vector<256x1024xbf16>
    %mul3A_107 = arith.mulf %convert_element_type3A_106, %concatenate3A : vector<256x1024xbf16>
    %get3A_108 = arith.constant 3 : index
    %get3A_109 = arith.constant 0 : index
    %get3A_110 = arith.constant 0 : index
    %get3A_111 = vector.load %arg9[%get3A_108, %get3A_109, %get3A_110] : memref<8x1024x64xbf16, #tpu.memory_space<vmem>>, vector<1x1024x64xbf16>
    %get3A_112 = vector.shape_cast %get3A_111 : vector<1x1024x64xbf16> to vector<1024x64xbf16>
    %dot_general3A_113 = arith.constant dense<0.000000e+00> : vector<256x64xf32>
    %dot_general3A_114 = tpu.matmul %mul3A_107, %get3A_112, %dot_general3A_113 {dimension_numbers = #tpu.dot_dimension_numbers<[1], [0], [0], [1], [0, 0, 1, 1], [], []>, transpose_lhs_hint = false} : vector<256x1024xbf16>, vector<1024x64xbf16>, vector<256x64xf32> -> vector<256x64xf32>
    %add3A_115 = arith.addf %add3A_98, %dot_general3A_114 : vector<256x64xf32>
    %get3A_116 = arith.constant 4 : index
    %get3A_117 = arith.constant 0 : index
    %get3A_118 = arith.constant 0 : index
    %get3A_119 = vector.load %arg8[%get3A_116, %get3A_117, %get3A_118] : memref<8x128x1024xbf16, #tpu.memory_space<vmem>>, vector<1x128x1024xbf16>
    %get3A_120 = vector.shape_cast %get3A_119 : vector<1x128x1024xbf16> to vector<128x1024xbf16>
    %dot_general3A_121 = arith.constant dense<0.000000e+00> : vector<256x1024xf32>
    %dot_general3A_122 = tpu.matmul %convert_element_type3A, %get3A_120, %dot_general3A_121 {dimension_numbers = #tpu.dot_dimension_numbers<[1], [0], [0], [1], [0, 0, 1, 1], [], []>, transpose_lhs_hint = false} : vector<256x128xbf16>, vector<128x1024xbf16>, vector<256x1024xf32> -> vector<256x1024xf32>
    %convert_element_type3A_123 = arith.truncf %dot_general3A_122 : vector<256x1024xf32> to vector<256x1024xbf16>
    %mul3A_124 = arith.mulf %convert_element_type3A_123, %concatenate3A : vector<256x1024xbf16>
    %get3A_125 = arith.constant 4 : index
    %get3A_126 = arith.constant 0 : index
    %get3A_127 = arith.constant 0 : index
    %get3A_128 = vector.load %arg9[%get3A_125, %get3A_126, %get3A_127] : memref<8x1024x64xbf16, #tpu.memory_space<vmem>>, vector<1x1024x64xbf16>
    %get3A_129 = vector.shape_cast %get3A_128 : vector<1x1024x64xbf16> to vector<1024x64xbf16>
    %dot_general3A_130 = arith.constant dense<0.000000e+00> : vector<256x64xf32>
    %dot_general3A_131 = tpu.matmul %mul3A_124, %get3A_129, %dot_general3A_130 {dimension_numbers = #tpu.dot_dimension_numbers<[1], [0], [0], [1], [0, 0, 1, 1], [], []>, transpose_lhs_hint = false} : vector<256x1024xbf16>, vector<1024x64xbf16>, vector<256x64xf32> -> vector<256x64xf32>
    %add3A_132 = arith.addf %add3A_115, %dot_general3A_131 : vector<256x64xf32>
    %get3A_133 = arith.constant 5 : index
    %get3A_134 = arith.constant 0 : index
    %get3A_135 = arith.constant 0 : index
    %get3A_136 = vector.load %arg8[%get3A_133, %get3A_134, %get3A_135] : memref<8x128x1024xbf16, #tpu.memory_space<vmem>>, vector<1x128x1024xbf16>
    %get3A_137 = vector.shape_cast %get3A_136 : vector<1x128x1024xbf16> to vector<128x1024xbf16>
    %dot_general3A_138 = arith.constant dense<0.000000e+00> : vector<256x1024xf32>
    %dot_general3A_139 = tpu.matmul %convert_element_type3A, %get3A_137, %dot_general3A_138 {dimension_numbers = #tpu.dot_dimension_numbers<[1], [0], [0], [1], [0, 0, 1, 1], [], []>, transpose_lhs_hint = false} : vector<256x128xbf16>, vector<128x1024xbf16>, vector<256x1024xf32> -> vector<256x1024xf32>
    %convert_element_type3A_140 = arith.truncf %dot_general3A_139 : vector<256x1024xf32> to vector<256x1024xbf16>
    %mul3A_141 = arith.mulf %convert_element_type3A_140, %concatenate3A : vector<256x1024xbf16>
    %get3A_142 = arith.constant 5 : index
    %get3A_143 = arith.constant 0 : index
    %get3A_144 = arith.constant 0 : index
    %get3A_145 = vector.load %arg9[%get3A_142, %get3A_143, %get3A_144] : memref<8x1024x64xbf16, #tpu.memory_space<vmem>>, vector<1x1024x64xbf16>
    %get3A_146 = vector.shape_cast %get3A_145 : vector<1x1024x64xbf16> to vector<1024x64xbf16>
    %dot_general3A_147 = arith.constant dense<0.000000e+00> : vector<256x64xf32>
    %dot_general3A_148 = tpu.matmul %mul3A_141, %get3A_146, %dot_general3A_147 {dimension_numbers = #tpu.dot_dimension_numbers<[1], [0], [0], [1], [0, 0, 1, 1], [], []>, transpose_lhs_hint = false} : vector<256x1024xbf16>, vector<1024x64xbf16>, vector<256x64xf32> -> vector<256x64xf32>
    %add3A_149 = arith.addf %add3A_132, %dot_general3A_148 : vector<256x64xf32>
    %get3A_150 = arith.constant 6 : index
    %get3A_151 = arith.constant 0 : index
    %get3A_152 = arith.constant 0 : index
    %get3A_153 = vector.load %arg8[%get3A_150, %get3A_151, %get3A_152] : memref<8x128x1024xbf16, #tpu.memory_space<vmem>>, vector<1x128x1024xbf16>
    %get3A_154 = vector.shape_cast %get3A_153 : vector<1x128x1024xbf16> to vector<128x1024xbf16>
    %dot_general3A_155 = arith.constant dense<0.000000e+00> : vector<256x1024xf32>
    %dot_general3A_156 = tpu.matmul %convert_element_type3A, %get3A_154, %dot_general3A_155 {dimension_numbers = #tpu.dot_dimension_numbers<[1], [0], [0], [1], [0, 0, 1, 1], [], []>, transpose_lhs_hint = false} : vector<256x128xbf16>, vector<128x1024xbf16>, vector<256x1024xf32> -> vector<256x1024xf32>
    %convert_element_type3A_157 = arith.truncf %dot_general3A_156 : vector<256x1024xf32> to vector<256x1024xbf16>
    %mul3A_158 = arith.mulf %convert_element_type3A_157, %concatenate3A : vector<256x1024xbf16>
    %get3A_159 = arith.constant 6 : index
    %get3A_160 = arith.constant 0 : index
    %get3A_161 = arith.constant 0 : index
    %get3A_162 = vector.load %arg9[%get3A_159, %get3A_160, %get3A_161] : memref<8x1024x64xbf16, #tpu.memory_space<vmem>>, vector<1x1024x64xbf16>
    %get3A_163 = vector.shape_cast %get3A_162 : vector<1x1024x64xbf16> to vector<1024x64xbf16>
    %dot_general3A_164 = arith.constant dense<0.000000e+00> : vector<256x64xf32>
    %dot_general3A_165 = tpu.matmul %mul3A_158, %get3A_163, %dot_general3A_164 {dimension_numbers = #tpu.dot_dimension_numbers<[1], [0], [0], [1], [0, 0, 1, 1], [], []>, transpose_lhs_hint = false} : vector<256x1024xbf16>, vector<1024x64xbf16>, vector<256x64xf32> -> vector<256x64xf32>
    %add3A_166 = arith.addf %add3A_149, %dot_general3A_165 : vector<256x64xf32>
    %get3A_167 = arith.constant 7 : index
    %get3A_168 = arith.constant 0 : index
    %get3A_169 = arith.constant 0 : index
    %get3A_170 = vector.load %arg8[%get3A_167, %get3A_168, %get3A_169] : memref<8x128x1024xbf16, #tpu.memory_space<vmem>>, vector<1x128x1024xbf16>
    %get3A_171 = vector.shape_cast %get3A_170 : vector<1x128x1024xbf16> to vector<128x1024xbf16>
    %dot_general3A_172 = arith.constant dense<0.000000e+00> : vector<256x1024xf32>
    %dot_general3A_173 = tpu.matmul %convert_element_type3A, %get3A_171, %dot_general3A_172 {dimension_numbers = #tpu.dot_dimension_numbers<[1], [0], [0], [1], [0, 0, 1, 1], [], []>, transpose_lhs_hint = false} : vector<256x128xbf16>, vector<128x1024xbf16>, vector<256x1024xf32> -> vector<256x1024xf32>
    %convert_element_type3A_174 = arith.truncf %dot_general3A_173 : vector<256x1024xf32> to vector<256x1024xbf16>
    %mul3A_175 = arith.mulf %convert_element_type3A_174, %concatenate3A : vector<256x1024xbf16>
    %get3A_176 = arith.constant 7 : index
    %get3A_177 = arith.constant 0 : index
    %get3A_178 = arith.constant 0 : index
    %get3A_179 = vector.load %arg9[%get3A_176, %get3A_177, %get3A_178] : memref<8x1024x64xbf16, #tpu.memory_space<vmem>>, vector<1x1024x64xbf16>
    %get3A_180 = vector.shape_cast %get3A_179 : vector<1x1024x64xbf16> to vector<1024x64xbf16>
    %dot_general3A_181 = arith.constant dense<0.000000e+00> : vector<256x64xf32>
    %dot_general3A_182 = tpu.matmul %mul3A_175, %get3A_180, %dot_general3A_181 {dimension_numbers = #tpu.dot_dimension_numbers<[1], [0], [0], [1], [0, 0, 1, 1], [], []>, transpose_lhs_hint = false} : vector<256x1024xbf16>, vector<1024x64xbf16>, vector<256x64xf32> -> vector<256x64xf32>
    %add3A_183 = arith.addf %add3A_166, %dot_general3A_182 : vector<256x64xf32>
    %reshape3A = vector.shape_cast %add3A_183 : vector<256x64xf32> to vector<128x2x64xf32>
    %reduce_sum3A_184 = arith.constant dense<0.000000e+00> : vector<128x64xf32>
    %reduce_sum3A_185 = vector.multi_reduction <add>, %reshape3A, %reduce_sum3A_184 [1] : vector<128x2x64xf32> to vector<128x64xf32>
    %broadcast_in_dim3A_186 = arith.constant 0.000000e+00 : f32
    %broadcast_in_dim3A_187 = vector.broadcast %broadcast_in_dim3A_186 : f32 to vector<256x1xf32>
    %slice3A = vector.extract_strided_slice %get3A_1 {offsets = [0, 0], sizes = [256, 64], strides = [1, 1]} : vector<256x512xf32> to vector<256x64xf32>
    %reduce_sum3A_188 = arith.constant dense<0.000000e+00> : vector<256xf32>
    %reduce_sum3A_189 = vector.multi_reduction <add>, %slice3A, %reduce_sum3A_188 [1] : vector<256x64xf32> to vector<256xf32>
    %broadcast_in_dim3A_190 = vector.shape_cast %reduce_sum3A_189 : vector<256xf32> to vector<256x1xf32>
    %gt3A = arith.constant 0.000000e+00 : f32
    %gt3A_191 = vector.broadcast %gt3A : f32 to vector<256x1xf32>
    %gt3A_192 = arith.cmpf ogt, %broadcast_in_dim3A_190, %gt3A_191 : vector<256x1xf32>
    %convert_element_type3A_193 = arith.extui %gt3A_192 : vector<256x1xi1> to vector<256x1xi32>
    %convert_element_type3A_194 = arith.sitofp %convert_element_type3A_193 : vector<256x1xi32> to vector<256x1xf32>
    %add3A_195 = arith.addf %broadcast_in_dim3A_187, %convert_element_type3A_194 : vector<256x1xf32>
    %slice3A_196 = vector.extract_strided_slice %get3A_1 {offsets = [0, 64], sizes = [256, 64], strides = [1, 1]} : vector<256x512xf32> to vector<256x64xf32>
    %reduce_sum3A_197 = arith.constant dense<0.000000e+00> : vector<256xf32>
    %reduce_sum3A_198 = vector.multi_reduction <add>, %slice3A_196, %reduce_sum3A_197 [1] : vector<256x64xf32> to vector<256xf32>
    %broadcast_in_dim3A_199 = vector.shape_cast %reduce_sum3A_198 : vector<256xf32> to vector<256x1xf32>
    %gt3A_200 = arith.constant 0.000000e+00 : f32
    %gt3A_201 = vector.broadcast %gt3A_200 : f32 to vector<256x1xf32>
    %gt3A_202 = arith.cmpf ogt, %broadcast_in_dim3A_199, %gt3A_201 : vector<256x1xf32>
    %convert_element_type3A_203 = arith.extui %gt3A_202 : vector<256x1xi1> to vector<256x1xi32>
    %convert_element_type3A_204 = arith.sitofp %convert_element_type3A_203 : vector<256x1xi32> to vector<256x1xf32>
    %add3A_205 = arith.addf %add3A_195, %convert_element_type3A_204 : vector<256x1xf32>
    %slice3A_206 = vector.extract_strided_slice %get3A_1 {offsets = [0, 128], sizes = [256, 64], strides = [1, 1]} : vector<256x512xf32> to vector<256x64xf32>
    %reduce_sum3A_207 = arith.constant dense<0.000000e+00> : vector<256xf32>
    %reduce_sum3A_208 = vector.multi_reduction <add>, %slice3A_206, %reduce_sum3A_207 [1] : vector<256x64xf32> to vector<256xf32>
    %broadcast_in_dim3A_209 = vector.shape_cast %reduce_sum3A_208 : vector<256xf32> to vector<256x1xf32>
    %gt3A_210 = arith.constant 0.000000e+00 : f32
    %gt3A_211 = vector.broadcast %gt3A_210 : f32 to vector<256x1xf32>
    %gt3A_212 = arith.cmpf ogt, %broadcast_in_dim3A_209, %gt3A_211 : vector<256x1xf32>
    %convert_element_type3A_213 = arith.extui %gt3A_212 : vector<256x1xi1> to vector<256x1xi32>
    %convert_element_type3A_214 = arith.sitofp %convert_element_type3A_213 : vector<256x1xi32> to vector<256x1xf32>
    %add3A_215 = arith.addf %add3A_205, %convert_element_type3A_214 : vector<256x1xf32>
    %slice3A_216 = vector.extract_strided_slice %get3A_1 {offsets = [0, 192], sizes = [256, 64], strides = [1, 1]} : vector<256x512xf32> to vector<256x64xf32>
    %reduce_sum3A_217 = arith.constant dense<0.000000e+00> : vector<256xf32>
    %reduce_sum3A_218 = vector.multi_reduction <add>, %slice3A_216, %reduce_sum3A_217 [1] : vector<256x64xf32> to vector<256xf32>
    %broadcast_in_dim3A_219 = vector.shape_cast %reduce_sum3A_218 : vector<256xf32> to vector<256x1xf32>
    %gt3A_220 = arith.constant 0.000000e+00 : f32
    %gt3A_221 = vector.broadcast %gt3A_220 : f32 to vector<256x1xf32>
    %gt3A_222 = arith.cmpf ogt, %broadcast_in_dim3A_219, %gt3A_221 : vector<256x1xf32>
    %convert_element_type3A_223 = arith.extui %gt3A_222 : vector<256x1xi1> to vector<256x1xi32>
    %convert_element_type3A_224 = arith.sitofp %convert_element_type3A_223 : vector<256x1xi32> to vector<256x1xf32>
    %add3A_225 = arith.addf %add3A_215, %convert_element_type3A_224 : vector<256x1xf32>
    %slice3A_226 = vector.extract_strided_slice %get3A_1 {offsets = [0, 256], sizes = [256, 64], strides = [1, 1]} : vector<256x512xf32> to vector<256x64xf32>
    %reduce_sum3A_227 = arith.constant dense<0.000000e+00> : vector<256xf32>
    %reduce_sum3A_228 = vector.multi_reduction <add>, %slice3A_226, %reduce_sum3A_227 [1] : vector<256x64xf32> to vector<256xf32>
    %broadcast_in_dim3A_229 = vector.shape_cast %reduce_sum3A_228 : vector<256xf32> to vector<256x1xf32>
    %gt3A_230 = arith.constant 0.000000e+00 : f32
    %gt3A_231 = vector.broadcast %gt3A_230 : f32 to vector<256x1xf32>
    %gt3A_232 = arith.cmpf ogt, %broadcast_in_dim3A_229, %gt3A_231 : vector<256x1xf32>
    %convert_element_type3A_233 = arith.extui %gt3A_232 : vector<256x1xi1> to vector<256x1xi32>
    %convert_element_type3A_234 = arith.sitofp %convert_element_type3A_233 : vector<256x1xi32> to vector<256x1xf32>
    %add3A_235 = arith.addf %add3A_225, %convert_element_type3A_234 : vector<256x1xf32>
    %slice3A_236 = vector.extract_strided_slice %get3A_1 {offsets = [0, 320], sizes = [256, 64], strides = [1, 1]} : vector<256x512xf32> to vector<256x64xf32>
    %reduce_sum3A_237 = arith.constant dense<0.000000e+00> : vector<256xf32>
    %reduce_sum3A_238 = vector.multi_reduction <add>, %slice3A_236, %reduce_sum3A_237 [1] : vector<256x64xf32> to vector<256xf32>
    %broadcast_in_dim3A_239 = vector.shape_cast %reduce_sum3A_238 : vector<256xf32> to vector<256x1xf32>
    %gt3A_240 = arith.constant 0.000000e+00 : f32
    %gt3A_241 = vector.broadcast %gt3A_240 : f32 to vector<256x1xf32>
    %gt3A_242 = arith.cmpf ogt, %broadcast_in_dim3A_239, %gt3A_241 : vector<256x1xf32>
    %convert_element_type3A_243 = arith.extui %gt3A_242 : vector<256x1xi1> to vector<256x1xi32>
    %convert_element_type3A_244 = arith.sitofp %convert_element_type3A_243 : vector<256x1xi32> to vector<256x1xf32>
    %add3A_245 = arith.addf %add3A_235, %convert_element_type3A_244 : vector<256x1xf32>
    %slice3A_246 = vector.extract_strided_slice %get3A_1 {offsets = [0, 384], sizes = [256, 64], strides = [1, 1]} : vector<256x512xf32> to vector<256x64xf32>
    %reduce_sum3A_247 = arith.constant dense<0.000000e+00> : vector<256xf32>
    %reduce_sum3A_248 = vector.multi_reduction <add>, %slice3A_246, %reduce_sum3A_247 [1] : vector<256x64xf32> to vector<256xf32>
    %broadcast_in_dim3A_249 = vector.shape_cast %reduce_sum3A_248 : vector<256xf32> to vector<256x1xf32>
    %gt3A_250 = arith.constant 0.000000e+00 : f32
    %gt3A_251 = vector.broadcast %gt3A_250 : f32 to vector<256x1xf32>
    %gt3A_252 = arith.cmpf ogt, %broadcast_in_dim3A_249, %gt3A_251 : vector<256x1xf32>
    %convert_element_type3A_253 = arith.extui %gt3A_252 : vector<256x1xi1> to vector<256x1xi32>
    %convert_element_type3A_254 = arith.sitofp %convert_element_type3A_253 : vector<256x1xi32> to vector<256x1xf32>
    %add3A_255 = arith.addf %add3A_245, %convert_element_type3A_254 : vector<256x1xf32>
    %slice3A_256 = vector.extract_strided_slice %get3A_1 {offsets = [0, 448], sizes = [256, 64], strides = [1, 1]} : vector<256x512xf32> to vector<256x64xf32>
    %reduce_sum3A_257 = arith.constant dense<0.000000e+00> : vector<256xf32>
    %reduce_sum3A_258 = vector.multi_reduction <add>, %slice3A_256, %reduce_sum3A_257 [1] : vector<256x64xf32> to vector<256xf32>
    %broadcast_in_dim3A_259 = vector.shape_cast %reduce_sum3A_258 : vector<256xf32> to vector<256x1xf32>
    %gt3A_260 = arith.constant 0.000000e+00 : f32
    %gt3A_261 = vector.broadcast %gt3A_260 : f32 to vector<256x1xf32>
    %gt3A_262 = arith.cmpf ogt, %broadcast_in_dim3A_259, %gt3A_261 : vector<256x1xf32>
    %convert_element_type3A_263 = arith.extui %gt3A_262 : vector<256x1xi1> to vector<256x1xi32>
    %convert_element_type3A_264 = arith.sitofp %convert_element_type3A_263 : vector<256x1xi32> to vector<256x1xf32>
    %add3A_265 = arith.addf %add3A_255, %convert_element_type3A_264 : vector<256x1xf32>
    %reshape3A_266 = vector.shape_cast %add3A_265 : vector<256x1xf32> to vector<128x2x1xf32>
    %reduce_sum3A_267 = arith.constant dense<0.000000e+00> : vector<128x1xf32>
    %reduce_sum3A_268 = vector.multi_reduction <add>, %reshape3A_266, %reduce_sum3A_267 [1] : vector<128x2x1xf32> to vector<128x1xf32>
    %max3A_269 = arith.constant 1.000000e+00 : f32
    %max3A_270 = vector.broadcast %max3A_269 : f32 to vector<128x1xf32>
    %max3A_271 = arith.maximumf %reduce_sum3A_268, %max3A_270 : vector<128x1xf32>
    %div3A = vector.broadcast %max3A_271 : vector<128x1xf32> to vector<128x64xf32>
    %div3A_272 = arith.divf %reduce_sum3A_185, %div3A : vector<128x64xf32>
    %swap3A = arith.constant 0 : index
    %swap3A_273 = arith.constant 0 : index
    %swap3A_274 = vector.load %arg10[%swap3A, %swap3A_273] : memref<128x64xf32, #tpu.memory_space<vmem>>, vector<128x64xf32>
    tpu.vector_store %arg10[%swap3A, %swap3A_273], %div3A_272 {strides = array<i32>} : memref<128x64xf32, #tpu.memory_space<vmem>>, vector<128x64xf32>,
    return
  }
  func.func @transform_0(%arg0: i32) -> (i32, i32) {
    %c0_i32 = arith.constant 0 : i32
    %c0_i32_0 = arith.constant 0 : i32
    return %arg0, %c0_i32 : i32, i32
  }
  func.func @transform_1(%arg0: i32) -> (i32, i32) {
    %c0_i32 = arith.constant 0 : i32
    %c0_i32_0 = arith.constant 0 : i32
    return %arg0, %c0_i32 : i32, i32
  }
  func.func @transform_2(%arg0: i32) -> (i32, i32) {
    %c0_i32 = arith.constant 0 : i32
    %c0_i32_0 = arith.constant 0 : i32
    return %arg0, %c0_i32 : i32, i32
  }
  func.func @transform_3(%arg0: i32) -> (i32, i32) {
    %c0_i32 = arith.constant 0 : i32
    %c0_i32_0 = arith.constant 0 : i32
    %c0_i32_1 = arith.constant 0 : i32
    return %c0_i32, %c0_i32_0 : i32, i32
  }
  func.func @transform_4(%arg0: i32) -> (i32, i32) {
    %c0_i32 = arith.constant 0 : i32
    %c0_i32_0 = arith.constant 0 : i32
    %c0_i32_1 = arith.constant 0 : i32
    return %c0_i32, %c0_i32_0 : i32, i32
  }
  func.func @transform_5(%arg0: i32) -> (i32, i32) {
    %c0_i32 = arith.constant 0 : i32
    %c0_i32_0 = arith.constant 0 : i32
    %c0_i32_1 = arith.constant 0 : i32
    return %c0_i32, %c0_i32_0 : i32, i32
  }
  func.func @transform_6(%arg0: i32) -> (i32, i32) {
    %c0_i32 = arith.constant 0 : i32
    %c0_i32_0 = arith.constant 0 : i32
    %c0_i32_1 = arith.constant 0 : i32
    return %c0_i32, %c0_i32_0 : i32, i32
  }
  func.func @transform_7(%arg0: i32) -> (i32, i32, i32) {
    %c0_i32 = arith.constant 0 : i32
    %c0_i32_0 = arith.constant 0 : i32
    %c0_i32_1 = arith.constant 0 : i32
    %c0_i32_2 = arith.constant 0 : i32
    return %c0_i32, %c0_i32_0, %c0_i32_1 : i32, i32, i32
  }
  func.func @transform_8(%arg0: i32) -> (i32, i32, i32) {
    %c0_i32 = arith.constant 0 : i32
    %c0_i32_0 = arith.constant 0 : i32
    %c0_i32_1 = arith.constant 0 : i32
    %c0_i32_2 = arith.constant 0 : i32
    return %c0_i32, %c0_i32_0, %c0_i32_1 : i32, i32, i32
  }
  func.func @transform_9(%arg0: i32) -> (i32, i32) {
    %c0_i32 = arith.constant 0 : i32
    %c0_i32_0 = arith.constant 0 : i32
    return %arg0, %c0_i32 : i32, i32
  }
}

</mosaic_0001>

<sc_bundles>
// kernel: kernel.6.cloned.1.call-start
scs
__scs_entry_jumppad:
0x0: {  	(pc) =	sbr.rel $0x88, $3  }
0x1: {  	(tag) =	ssettag $0x0;
	lr =	simm.s32 $0x1  }
0x2: {  	[smem:$0x3F9B] =	sst lr;
	_ =	strace $0xD0000000  }
0x3: {  	_ = 	snop  }
0x4: {  	_ = 	snop  }
0x5: {  	_ = 	snop  }
0x6: {  	_ = 	snop  }
0x7: {  	_ = 	snop  }
__scs_overlays_trampoline_lowered:
0x8: {  	[smem:$0x3FAA] =	sst s0  }
0x9: {  	[smem:$0x3FAB] =	sst s1  }
0xa: {  	[smem:$0x3FAC] =	sst s2  }
0xb: {  	[smem:$0x3FAD] =	sst s3  }
0xc: {  	[smem:$0x3FAE] =	sst s4  }
0xd: {  	[smem:$0x3FAF] =	sst s5  }
0xe: {  	[smem:$0x3FB0] =	sst s6  }
0xf: {  	[smem:$0x3FB1] =	sst s7  }
0x10: {  	[smem:$0x3FB2] =	sst s8  }
0x11: {  	[smem:$0x3FB3] =	sst s9;
	s0 =	simm.s32 @!p0 $0x0  }
0x12: {  	s1 =	sld [smem:$0x3F99];
	s0 =	simm.s32 @p0 $0x1  }
0x13: {  	[smem:$0x3FB4] =	sst s0;
	s0 =	simm.s32 @!p1 $0x0  }
0x14: {  	s2 =	sld [smem:$0x3F98];
	s0 =	simm.s32 @p1 $0x1  }
0x15: {  	[smem:$0x3FB5] =	sst s0;
	s0 =	simm.s32 @!p2 $0x0  }
0x16: {  	s3 =	sld [smem:$0x3FDB];
	s0 =	simm.s32 @p2 $0x1  }
0x17: {  	s4 =	simm.s32 $0x1BF5;
	[smem:$0x3FB7] =	sst s0  }
0x18: {  	s0 =	sld [smem:$0x3F9A];
	_ =	swait.ge [sflag:s4], $0x0  }
0x19: {  	s7 =	sld [smem:$0x3F9B]  }
0x1a: {  	s8 =	sadd.s32 $0xFFFFE003, lr  }
0x1b: {  	s9 =	sadd.s32 $0xFFFFFEF7, lr;
	s5 =	simm.s32 $0xFFFFFFFF;
	p2 =	slt.u32 s8, $0xFFFFF086  }
0x1c: {  	p1 =	slt.u32 s9, $0xF7A;
	s5 =	simm.s32 @!p2 $0x0  }
0x1d: {  	s5 =	simm.s32 @p1 $0x1;
	p0 =	seq.s32 s7, s2  }
0x1e: {  	s7 =	smul.u32 @!p0 $0xF7A, s2;
	p2 =	seq.s32 @!p0 s5, $0x0  }
0x1f: {  	s9 =	smul.u32 $0xF7A, s1;
	s8 =	simm.s32 @!p0 $0x1BF5;
	p2 =	por !p2, p0  }
0x20: {  	[sflag:s8] =	ssyncset.s32 @!p0 $0xFFFFF086;
	s6 =	sadd.s32 @!p0 s3, s7;
	s7 =	simm.s32 @!p0 $0x108  }
0x21: {  	s3 =	sadd.s32 s3, s9;
	s6 =	sadd.s32 @!p0 $0x88, s6;
	s7 =	simm.s32 @p2 $0x1082  }
0x22: {  	[simem:s7], [sflag:s8] =	dma.local @!p0 [hbm:s6], $0xF7A  }
0x23: {  	s9 =	sor.u32 $0xD0000000, s2;
	s6 =	simm.s32 $0x108;
	_ =	swait.ge @!p0 [sflag:s8], $0x0  }
0x24: {  	s3 =	sadd.s32 $0x88, s3;
	s6 =	simm.s32 @!p1 $0x1082;
	[sflag:s4] =	ssyncset.s32 $0xFFFFF086  }
0x25: {  	[simem:s6], [sflag:s4] =	dma.local [hbm:s3], $0xF7A  }
0x26: {  	[smem:$0x3F9B] =	sst s1;
	(tag) =	ssettag s2;
	_ =	strace s9  }
0x27: {  	s1 =	sld [smem:$0x3FAB]  }
0x28: {  	s2 =	sld [smem:$0x3FAC]  }
0x29: {  	s4 =	sld [smem:$0x3FAE]  }
0x2a: {  	p0 =	seq.s32 s5, $0x0;
	s5 =	sld [smem:$0x3FAF]  }
0x2b: {  	s6 =	sld [smem:$0x3FB0]  }
0x2c: {  	s7 =	sld [smem:$0x3FB1]  }
0x2d: {  	s3 =	simm.s32 $0x108;
	s8 =	sld [smem:$0x3FB2]  }
0x2e: {  	s3 =	simm.s32 @!p0 $0x1082;
	s9 =	sld [smem:$0x3FB3]  }
0x2f: {  	lr =	sadd.s32 s0, s3;
	s0 =	sld [smem:$0x3FAA]  }
0x30: {  	s3 =	sld [smem:$0x3FAD]  }
0x31: {  	[smem:$0x3FB6] =	sst s10  }
0x32: {  	s10 =	sld [smem:$0x3FB4];
	_ =	sdelay $0x3  }
0x33: {  	p0 =	seq.s32 s10, $0x1;
	s10 =	sld [smem:$0x3FB6];
	_ =	sdelay $0x3  }
0x34: {  	[smem:$0x3FB6] =	sst s10  }
0x35: {  	s10 =	sld [smem:$0x3FB5];
	_ =	sdelay $0x3  }
0x36: {  	p1 =	seq.s32 s10, $0x1;
	s10 =	sld [smem:$0x3FB6];
	_ =	sdelay $0x3  }
0x37: {  	[smem:$0x3FB6] =	sst s10  }
0x38: {  	s10 =	sld [smem:$0x3FB7]  }
0x39: {  	_ = 	snop;
	(pc) =	sbr.ind lr, $3  }
0x3a: {  	_ = 	snop  }
0x3b: {  	_ = 	snop  }
0x3c: {  	p2 =	seq.s32 s10, $0x1;
	s10 =	sld [smem:$0x3FB6]  }
0x3d: {  	_ =	shalt  }
0x3e: {  	_ =	shalt  }
0x3f: {  	_ =	shalt  }
0x40: {  	_ =	shalt  }
0x41: {  	_ =	shalt  }
0x42: {  	_ =	shalt  }
0x43: {  	_ =	shalt  }
0x44: {  	_ =	shalt  }
0x45: {  	_ =	shalt  }
0x46: {  	_ =	shalt  }
0x47: {  	_ =	shalt  }
0x48: {  	_ =	shalt  }
0x49: {  	_ =	shalt  }
0x4a: {  	_ =	shalt  }
0x4b: {  	_ =	shalt  }
0x4c: {  	_ =	shalt  }
0x4d: {  	_ =	shalt  }
0x4e: {  	_ =	shalt  }
0x4f: {  	_ =	shalt  }
0x50: {  	_ =	shalt  }
0x51: {  	_ =	shalt  }
0x52: {  	_ =	shalt  }
0x53: {  	_ =	shalt  }
0x54: {  	_ =	shalt  }
0x55: {  	_ =	shalt  }
0x56: {  	_ =	shalt  }
0x57: {  	_ =	shalt  }
0x58: {  	_ =	shalt  }
0x59: {  	_ =	shalt  }
0x5a: {  	_ =	shalt  }
0x5b: {  	_ =	shalt  }
0x5c: {  	_ =	shalt  }
0x5d: {  	_ =	shalt  }
0x5e: {  	_ =	shalt  }
0x5f: {  	_ =	shalt  }
0x60: {  	_ =	shalt  }
0x61: {  	_ =	shalt  }
0x62: {  	_ =	shalt  }
0x63: {  	_ =	shalt  }
0x64: {  	_ =	shalt  }
0x65: {  	_ =	shalt  }
0x66: {  	_ =	shalt  }
0x67: {  	_ =	shalt  }
0x68: {  	_ =	shalt  }
0x69: {  	_ =	shalt  }
0x6a: {  	_ =	shalt  }
0x6b: {  	_ =	shalt  }
0x6c: {  	_ =	shalt  }
0x6d: {  	_ =	shalt  }
0x6e: {  	_ =	shalt  }
0x6f: {  	_ =	shalt  }
0x70: {  	_ =	shalt  }
0x71: {  	_ =	shalt  }
0x72: {  	_ =	shalt  }
0x73: {  	_ =	shalt  }
0x74: {  	_ =	shalt  }
0x75: {  	_ =	shalt  }
0x76: {  	_ =	shalt  }
0x77: {  	_ =	shalt  }
0x78: {  	_ =	shalt  }
0x79: {  	_ =	shalt  }
0x7a: {  	_ =	shalt  }
0x7b: {  	_ =	shalt  }
0x7c: {  	_ =	shalt  }
0x7d: {  	_ =	shalt  }
0x7e: {  	_ =	shalt  }
0x7f: {  	_ =	shalt  }
0x80: {  	_ =	shalt  }
0x81: {  	_ =	shalt  }
0x82: {  	_ =	shalt  }
0x83: {  	_ =	shalt  }
0x84: {  	_ =	shalt  }
0x85: {  	_ =	shalt  }
0x86: {  	_ =	shalt  }
0x87: {  	_ =	shalt  }
.Lfunc_end0:
.L_simem_size_0:
called_computation_lowered:
.L_overlay_start_0:
0x88: {  	s2 =	sld [smem:$0x3FD9]  }
0x89: {  	s3 =	sld [smem:$0x3FFE];
	_ =	sdelay $0x1  }
0x8a: {  	s1 =	srdreg.scid  }
0x8b: {  	s0 =	sand.u32 $0x1, s1  }
0x8c: {  	s17 =	sshll.u32 s0, $0xA;
	s2 =	sadd.s32 s3, s2  }
0x8d: {  	s2 =	sadd.s32 s2, s17  }
0x8e: {  	[smem:$0x3FC2] =	sst s2  }
0x8f: {  	_ = 	snop  }
0x90: {  	s2 =	sld [smem:$0x3FD0];
	(tm) =	ssettm $0x1  }
0x91: {  	s18 =	sld [smem:$0x3FFB];
	_ =	sdelay $0x3  }
0x92: {  	_ =	strace s18  }
0x93: {  	s3 =	sld [smem:$0x3FFC];
	_ =	sdelay $0x3  }
0x94: {  	_ =	strace s3  }
0x95: {  	s3 =	sld [smem:$0x3FFD];
	_ =	sdelay $0x3  }
0x96: {  	_ =	strace s3  }
0x97: {  	_ =	strace $0x8FFFFFFF  }
0x98: {  	s19 =	sld [smem:$0x3FDB];
	_ =	sdelay $0x1  }
0x99: {  	s4 =	simm.s32 $_scs_section_size  }
0x9a: {  	s5 =	simm.s32 $_size__tile_overlayer_lowered;
	s6 =	simm.s32 $_tile_overlayer_lowered  }
0x9b: {  	s22 =	simm.s32 $0x1BFF;
	s21 =	sshll.u32 s6, $0x1;
	s3 =	sadd.s32 s4, s19  }
0x9c: {  	s7 =	simm.s32 $0x0;
	s20 =	sshll.u32 s5, $0x1;
	s5 =	sadd.s32 s21, s3  }
0x9d: {  	[timem:s7], [sflag:s22] =	dma.local [hbm:s5], s20  }
0x9e: {  	_ =	swait.ge [sflag:s22], s20  }
0x9f: {  	s4 =	ssub.s32 $0x0, s20;
	[sflag:s22] =	ssyncset.done $0x0  }
0xa0: {  	[sflag:s22] =	ssyncadd.s32 s4;
	_ =	sdelay $0x1  }
0xa1: {  	s23 =	simm.s32 $0x1B8B  }
0xa2: {  	_ =	swait.ge [sflag:s23], $0x1  }
0xa3: {  	[sflag:s23] =	ssyncset.done $0x0  }
0xa4: {  	s25 =	simm.s32 $0x1B8E;
	s24 =	sld [smem:$0x3FFE];
	[sflag:s23] =	ssyncadd.s32 $0xFFFFFFFF  }
0xa5: {  	s26 =	simm.s32 $execute0_lowered;
	[smem:$0x3FD2] =	sst s25  }
0xa6: {  	s5 =	sshll.u32 s26, $0x1;
	_ =	strace $0x80000046;
	[dreg:$0x1] =	wrdreg $0xFFFFFFFF  }
0xa7: {  	s28 =	simm.s32 $_size_execute0_lowered;
	s3 =	sadd.s32 s3, s5;
	[dreg:$0x0] =	wrdreg $0x0  }
0xa8: {  	s5 =	sshll.u32 s28, $0x1;
	[dreg:$0x2] =	wrdreg s3  }
0xa9: {  	[dreg:$0x3] =	wrdreg s5  }
0xaa: {  	[dreg:$0x4] =	wrdreg $0xC0  }
0xab: {  	_ =	task [dreg:s7], $0x5FFFF  }
0xac: {  	[dreg:$0x1] =	wrdreg $0xFFFFFFFF  }
0xad: {  	[dreg:$0x0] =	wrdreg $0x60  }
0xae: {  	[dreg:$0x2] =	wrdreg s2  }
0xaf: {  	[dreg:$0x3] =	wrdreg s24  }
0xb0: {  	[dreg:$0x4] =	wrdreg $0x9  }
0xb1: {  	_ =	task.clear_ibuf [dreg:s7], $0x5FFFF;
	_ =	strace $0x90000046  }
0xb2: {  	s29 =	simm.s32 $0x9;
	_ =	strace $0x80000048  }
0xb3: {  	_ =	swait.ge [sflag:s29], $0x1  }
0xb4: {  	[sflag:s29] =	ssyncadd.s32 $0xFFFFFFFF  }
0xb5: {  	_ =	strace $0x90000048  }
0xb6: {  	_ =	sfence  }
0xb7: {  	s30 =	sld [smem:$0x0];
	_ =	sdelay $0x2  }
0xb8: {  	s31 =	sshll.u32 s1, $0xD;
	s1 =	sshrl.u32 s1, $0x2  }
0xb9: {  	s3 =	sand.u32 $0x4000, s31;
	s1 =	sadd.s32 s1, s30  }
0xba: {  	s0 =	sor.u32 s3, s0;
	s1 =	sshll.u32 s1, $0x11  }
0xbb: {  	s0 =	sor.u32 s1, s0  }
0xbc: {  	s0 =	sadd.s32 $0x8F2B, s0  }
0xbd: {  	[sflag:s0] =	ssyncadd.remote.s32 $0x1  }
0xbe: {  	_ =	sfence.sel $0xFFFF  }
0xbf: {  	[dreg:$0x0] =	wrdreg $0xFFFFFFFF;
	(pc) =	sbr.abs _section_cstart, $3  }
0xc0: {  	[dreg:$0x1] =	wrdreg $0xFFFFFFFF  }
0xc1: {  	_ =	task.clear_ibuf [dreg:s7], $0x2FFFF;
	_ =	strace $0x9FFFFFFF  }
0xc2: {  	(tm) =	ssettm $0x7FFFFFFF  }
0xc3: {  	_ =	shalt  }
tec
execute0_lowered:
.L_overlay_start_1:
0x0: {  	(tag) =	ssettag $0x1  }
0x1: {  	s2 =	rddreg [dreg:$0x0]  }
0x2: {  	s0 =	rddreg [dreg:$0x1]  }
0x3: {  	s1 =	srdreg.scid;
	s14 =	stileid.u32  }
0x4: {  	s3 =	simm.s32 $0x0;
	s28 =	simm.s32 $0x7;
	s29 =	simm.s32 $0x2  }
0x5: {  	s30 =	simm.s32 $0x4;
	s31 =	simm.s32 $0x6;
	s11 =	smul.u32 $0x6200, s14  }
0x6: {  	s1 =	sand.u32 $0x1, s1;
	s4 =	sshll.u32 s14, $0x1;
	s23 =	smul.u32 $0xC400, s14  }
0x7: {  	[smem:$0x7FF] =	sst s3;
	s7 =	sadd.s32 $0x27200, s0;
	s26 =	smul.u32 $0x31000, s14  }
0x8: {  	s5 =	sor.u32 s1, s4;
	_ =	strace $0x80000047;
	s25 =	smul.u32 $0x6200, s1  }
0x9: {  	s4 =	sadd.s32 $0x2600, s0;
	s8 =	ssub.s32 $0x2, s1;
	s6 =	smul.u32 $0x3100, s5  }
0xa: {  	s5 =	sadd.s32 $0x1AE00, s0;
	s0 =	sadd.s32 $0x337200, s0;
	s9 =	sshrl.u32 s8, $0x1  }
0xb: {  	s8 =	ssub.s32 s8, s9;
	s10 =	sshrl.u32 s6, $0x3;
	s15 =	sadd.s32 $0x2F40, s6  }
0xc: {  	s6 =	sadd.s32 $0x2D80, s6;
	s8 =	smax.u32 s8, $0x1;
	s13 =	sadd.s32 s5, s10  }
0xd: {  	s16 =	sshrl.u32 s15, $0x3;
	s12 =	sshll.u32 s6, $0x3;
	[dreg:$0xa] =	wrdreg s8  }
0xe: {  	s6 =	sshll.u32 s6, $0x1;
	[dreg:$0x4] =	wrdreg s13;
	s10 =	sadd.s32 s5, s16  }
0xf: {  	s18 =	sshll.u32 s15, $0x3;
	s17 =	sadd.s32 s7, s12;
	[dreg:$0x5] =	wrdreg s10  }
0x10: {  	s9 =	sshll.u32 s15, $0x1;
	s6 =	sadd.s32 s0, s6;
	[dreg:$0x6] =	wrdreg s17  }
0x11: {  	s13 =	smul.u32 $0x3100, s1;
	s20 =	sadd.s32 s0, s9;
	[dreg:$0x7] =	wrdreg s6  }
0x12: {  	s1 =	smul.u32 $0x18800, s1;
	s6 =	sadd.s32 s7, s18;
	[dreg:$0x9] =	wrdreg s20  }
0x13: {  	s18 =	simm.s32 $0x9;
	s20 =	simm.s32 $0x380;
	s19 =	sadd.s32 s13, s11  }
0x14: {  	[dreg:$0x8] =	wrdreg s6;
	s21 =	sadd.s32 $0x1C0, s19;
	s10 =	sadd.s32 $0x380, s19  }
0x15: {  	s19 =	simm.s32 $0x1C0;
	s22 =	sshrl.u32 s21, $0x6;
	[dreg:$0xb] =	wrdreg s10  }
0x16: {  	s6 =	sshrl.u32 s21, $0x3;
	s21 =	simm.s32 $0xE380;
	s24 =	sshll.u32 s22, $0x7  }
0x17: {  	s8 =	sshll.u32 s22, $0x9;
	s6 =	sadd.s32 s6, s5;
	s22 =	simm.s32 $0x7380  }
0x18: {  	s10 =	sadd.s32 s24, s0;
	s8 =	sadd.s32 s8, s7;
	s0 =	sadd.s32 s23, s0  }
0x19: {  	s7 =	sadd.s32 s26, s7;
	[dreg:$0xd] =	wrdreg s6;
	s23 =	simm.s32 $0xFF80  }
0x1a: {  	s24 =	simm.s32 $0x1;
	s26 =	simm.s32 $0x5;
	[dreg:$0x3] =	wrdreg s10  }
0x1b: {  	[dreg:$0xc] =	wrdreg s8;
	s16 =	sadd.s32 s25, s0;
	s17 =	sadd.s32 s1, s7  }
0x1c: {  	s25 =	simm.s32 $0x3;
	s0 =	simm.s32 $0x8;
	s1 =	simm.s32 $0x0  }
.LBB2_1:
0x1d: {  	s6 =	rddreg [dreg:$0x4]  }
0x1e: {  	[tilespmem:s3], [sflag:$0x9] =	stream.linear.gather [hbm4b:s6+s3], $0x1C0, $0x38;
	[tilespmem:$0x11B80] =	vst v63  }
0x1f: {  	_ =	swait.ge [sflag:s18], $0x1C0  }
0x20: {  	[sflag:s18] =	ssyncset.done $0x0  }
0x21: {  	p0 =	por $0x1, $0x1;
	[sflag:s18] =	ssyncadd.s32 $0xFFFFFE40  }
0x22: {  	[tilespmem:s20], [sflag:$0x1] =	stream.indirect.gather [hbm4b:s2+s19], $0x40, s3, s19, $0xb8;
	[tilespmem:$0x11B80] =	vst v63  }
0x23: {  	s6 =	simm.s32 @!p0 $0x6  }
0x24: {  	[tilespmem:s21], [sflag:$0x3] =	stream.indirect.gather [hbm4b:s4+s19], $0x10, s3, s19, $0xb8;
	[tilespmem:$0x11B80] =	vst v63  }
0x25: {  	_ =	swait.ge @!p0 [sflag:s6], $0x7000  }
0x26: {  	[sflag:s6] =	ssyncset.done @!p0 $0x0  }
0x27: {  	[sflag:s6] =	ssyncadd.s32 @!p0 $0xFFFF9000;
	s6 =	simm.s32 @!p0 $0x8  }
0x28: {  	_ =	swait.ge @!p0 [sflag:s6], $0x1C00  }
0x29: {  	[sflag:s6] =	ssyncset.done @!p0 $0x0  }
0x2a: {  	s7 =	rddreg [dreg:$0xd];
	[sflag:s6] =	ssyncadd.s32 @!p0 $0xFFFFE400  }
0x2b: {  	[tilespmem:s19], [sflag:$0x9] =	stream.linear.gather [hbm4b:s7+s3], $0x1C0, $0x38;
	[tilespmem:$0x11B80] =	vst v63  }
0x2c: {  	_ =	swait.ge [sflag:s18], $0x1C0  }
0x2d: {  	[sflag:s18] =	ssyncset.done $0x0  }
0x2e: {  	[sflag:s18] =	ssyncadd.s32 $0xFFFFFE40  }
0x2f: {  	[tilespmem:s22], [sflag:$0x2] =	stream.indirect.gather [hbm4b:s2+s19], $0x40, s19, s19, $0xb8;
	[tilespmem:$0x11B80] =	vst v63  }
0x30: {  	_ = 	snop  }
0x31: {  	[tilespmem:s23], [sflag:$0x4] =	stream.indirect.gather [hbm4b:s4+s19], $0x10, s19, s19, $0xb8;
	[tilespmem:$0x11B80] =	vst v63  }
0x32: {  	_ =	swait.ge [sflag:s24], $0x7000  }
0x33: {  	[sflag:s24] =	ssyncset.done $0x0  }
0x34: {  	[sflag:s24] =	ssyncadd.s32 $0xFFFF9000  }
0x35: {  	_ =	swait.ge [sflag:s25], $0x1C00  }
0x36: {  	[sflag:s25] =	ssyncset.done $0x0  }
0x37: {  	[sflag:s25] =	ssyncadd.s32 $0xFFFFE400  }
0x38: {  	[hbm4b:s17+s3] =	stream.linear.scatter [tilespmem:s20], [sflag:$0x5], $0x7000, $0x38;
	[tilespmem:$0x11B80] =	vst v63  }
0x39: {  	s13 =	sadd.s32 $0x0, s16  }
0x3a: {  	[hbm4b:s13+s3] =	stream.linear.scatter [tilespmem:s21], [sflag:$0x7], $0x1C00, $0x38;
	[tilespmem:$0x11B80] =	vst v63  }
0x3b: {  	_ =	swait.ge [sflag:s26], $0x7000  }
0x3c: {  	[sflag:s26] =	ssyncset.done $0x0  }
0x3d: {  	[sflag:s26] =	ssyncadd.s32 $0xFFFF9000  }
0x3e: {  	_ =	swait.ge [sflag:s28], $0x1C00  }
0x3f: {  	s8 =	rddreg [dreg:$0xb]  }
0x40: {  	[sflag:s28] =	ssyncset.done $0x0;
	s14 =	sshrl.u32 s8, $0x3  }
0x41: {  	[sflag:s28] =	ssyncadd.s32 $0xFFFFE400;
	s6 =	sadd.s32 s5, s14  }
0x42: {  	[tilespmem:s3], [sflag:$0x9] =	stream.linear.gather [hbm4b:s6+s3], $0x1C0, $0x38;
	[tilespmem:$0x11B80] =	vst v63  }
0x43: {  	_ =	swait.ge [sflag:s18], $0x1C0  }
0x44: {  	[sflag:s18] =	ssyncset.done $0x0  }
0x45: {  	[sflag:s18] =	ssyncadd.s32 $0xFFFFFE40  }
0x46: {  	[tilespmem:s20], [sflag:$0x1] =	stream.indirect.gather [hbm4b:s2+s19], $0x40, s3, s19, $0xb8;
	[tilespmem:$0x11B80] =	vst v63  }
0x47: {  	_ = 	snop  }
0x48: {  	[tilespmem:s21], [sflag:$0x3] =	stream.indirect.gather [hbm4b:s4+s19], $0x10, s3, s19, $0xb8;
	[tilespmem:$0x11B80] =	vst v63  }
0x49: {  	_ =	swait.ge [sflag:s29], $0x7000  }
0x4a: {  	s11 =	simm.s32 $0xE00;
	s9 =	sadd.s32 $0x1C00, s17;
	[sflag:s29] =	ssyncset.done $0x0  }
0x4b: {  	p1 =	por $0x0, $0x0;
	s12 =	simm.s32 $0x0;
	[sflag:s29] =	ssyncadd.s32 $0xFFFF9000  }
0x4c: {  	s10 =	sadd.s32 $0x70, s7;
	s8 =	sadd.s32 $0x380, s8;
	_ =	swait.ge [sflag:s30], $0x1C00  }
0x4d: {  	s6 =	simm.s32 $0x700;
	[sflag:s30] =	ssyncset.done $0x0;
	s15 =	rddreg [dreg:$0xc]  }
0x4e: {  	s14 =	rddreg [dreg:$0x3];
	[sflag:s30] =	ssyncadd.s32 $0xFFFFE400;
	s7 =	sadd.s32 $0x1C00, s15  }
0x4f: {  	[hbm4b:s15+s3] =	stream.linear.scatter [tilespmem:s22], [sflag:$0x6], $0x7000, $0x38;
	[tilespmem:$0x11B80] =	vst v63  }
.LBB2_2:
0x50: {  	s15 =	simm.s32 @!p1 $0x6;
	s14 =	sadd.s32 s12, s14  }
0x51: {  	[hbm4b:s14+s3] =	stream.linear.scatter [tilespmem:s23], [sflag:$0x8], $0x1C00, $0x38;
	[tilespmem:$0x11B80] =	vst v63  }
0x52: {  	_ =	swait.ge @!p1 [sflag:s15], $0x7000  }
0x53: {  	[sflag:s15] =	ssyncset.done @!p1 $0x0  }
0x54: {  	s14 =	simm.s32 @!p1 $0x8;
	[sflag:s15] =	ssyncadd.s32 @!p1 $0xFFFF9000  }
0x55: {  	_ =	swait.ge @!p1 [sflag:s14], $0x1C00  }
0x56: {  	[sflag:s14] =	ssyncset.done @!p1 $0x0  }
0x57: {  	[sflag:s14] =	ssyncadd.s32 @!p1 $0xFFFFE400  }
0x58: {  	[tilespmem:s19], [sflag:$0x9] =	stream.linear.gather [hbm4b:s10+s3], $0x1C0, $0x38;
	[tilespmem:$0x11B80] =	vst v63  }
0x59: {  	_ =	swait.ge [sflag:s18], $0x1C0  }
0x5a: {  	[sflag:s18] =	ssyncset.done $0x0  }
0x5b: {  	[sflag:s18] =	ssyncadd.s32 $0xFFFFFE40  }
0x5c: {  	[tilespmem:s22], [sflag:$0x2] =	stream.indirect.gather [hbm4b:s2+s19], $0x40, s19, s19, $0xb8;
	[tilespmem:$0x11B80] =	vst v63  }
0x5d: {  	_ = 	snop  }
0x5e: {  	[tilespmem:s23], [sflag:$0x4] =	stream.indirect.gather [hbm4b:s4+s19], $0x10, s19, s19, $0xb8;
	[tilespmem:$0x11B80] =	vst v63  }
0x5f: {  	_ =	swait.ge [sflag:s24], $0x7000  }
0x60: {  	[sflag:s24] =	ssyncset.done $0x0  }
0x61: {  	[sflag:s24] =	ssyncadd.s32 $0xFFFF9000  }
0x62: {  	_ =	swait.ge [sflag:s25], $0x1C00  }
0x63: {  	[sflag:s25] =	ssyncset.done $0x0  }
0x64: {  	s12 =	smov.u32 s6;
	[sflag:s25] =	ssyncadd.s32 $0xFFFFE400  }
0x65: {  	[hbm4b:s9+s3] =	stream.linear.scatter [tilespmem:s20], [sflag:$0x5], $0x7000, $0x38;
	[tilespmem:$0x11B80] =	vst v63  }
0x66: {  	s15 =	sadd.s32 s12, s16  }
0x67: {  	[hbm4b:s15+s3] =	stream.linear.scatter [tilespmem:s21], [sflag:$0x7], $0x1C00, $0x38;
	[tilespmem:$0x11B80] =	vst v63  }
0x68: {  	_ =	swait.ge [sflag:s26], $0x7000  }
0x69: {  	[sflag:s26] =	ssyncset.done $0x0  }
0x6a: {  	[sflag:s26] =	ssyncadd.s32 $0xFFFF9000  }
0x6b: {  	_ =	swait.ge [sflag:s28], $0x1C00  }
0x6c: {  	s15 =	sshrl.u32 s8, $0x3;
	[sflag:s28] =	ssyncset.done $0x0  }
0x6d: {  	s14 =	sadd.s32 s5, s15;
	[sflag:s28] =	ssyncadd.s32 $0xFFFFE400  }
0x6e: {  	[tilespmem:s3], [sflag:$0x9] =	stream.linear.gather [hbm4b:s14+s3], $0x1C0, $0x38;
	[tilespmem:$0x11B80] =	vst v63  }
0x6f: {  	_ =	swait.ge [sflag:s18], $0x1C0  }
0x70: {  	[sflag:s18] =	ssyncset.done $0x0  }
0x71: {  	[sflag:s18] =	ssyncadd.s32 $0xFFFFFE40  }
0x72: {  	[tilespmem:s20], [sflag:$0x1] =	stream.indirect.gather [hbm4b:s2+s19], $0x40, s3, s19, $0xb8;
	[tilespmem:$0x11B80] =	vst v63  }
0x73: {  	_ = 	snop  }
0x74: {  	[tilespmem:s21], [sflag:$0x3] =	stream.indirect.gather [hbm4b:s4+s19], $0x10, s3, s19, $0xb8;
	[tilespmem:$0x11B80] =	vst v63  }
0x75: {  	s6 =	smov.u32 s11;
	s11 =	sadd.s32 $0x700, s11;
	_ =	swait.ge [sflag:s29], $0x7000  }
0x76: {  	p0 =	sne.s32 s11, $0x5B00;
	[sflag:s29] =	ssyncset.done $0x0  }
.Ltmp0:
0x77: {  	s13 =	smov.u32 s7;
	[sflag:s29] =	ssyncadd.s32 $0xFFFF9000;
	(pc) =	sbr.rel @p0 .LBB2_2-.Ltmp0, $4  }
0x78: {  	s7 =	sadd.s32 $0x1C00, s7;
	p1 =	seq.s32 s6, $0x0;
	_ =	swait.ge [sflag:s30], $0x1C00  }
0x79: {  	s10 =	sadd.s32 $0x70, s10;
	s9 =	sadd.s32 $0x1C00, s9;
	[sflag:s30] =	ssyncset.done $0x0  }
0x7a: {  	s8 =	sadd.s32 $0x380, s8;
	s14 =	rddreg [dreg:$0x3];
	[sflag:s30] =	ssyncadd.s32 $0xFFFFE400  }
0x7b: {  	[hbm4b:s13+s3] =	stream.linear.scatter [tilespmem:s22], [sflag:$0x6], $0x7000, $0x38;
	[tilespmem:$0x11B80] =	vst v63  }
0x7c: {  	s11 =	sadd.s32 s12, s14  }
0x7d: {  	[hbm4b:s11+s3] =	stream.linear.scatter [tilespmem:s23], [sflag:$0x8], $0x1C00, $0x38;
	[tilespmem:$0x11B80] =	vst v63  }
0x7e: {  	s11 =	simm.s32 @!p1 $0x6  }
0x7f: {  	_ =	swait.ge @!p1 [sflag:s11], $0x7000  }
0x80: {  	[sflag:s11] =	ssyncset.done @!p1 $0x0  }
0x81: {  	[sflag:s11] =	ssyncadd.s32 @!p1 $0xFFFF9000;
	s11 =	simm.s32 @!p1 $0x8  }
0x82: {  	_ =	swait.ge @!p1 [sflag:s11], $0x1C00  }
0x83: {  	[sflag:s11] =	ssyncset.done @!p1 $0x0  }
0x84: {  	[sflag:s11] =	ssyncadd.s32 @!p1 $0xFFFFE400  }
0x85: {  	[tilespmem:s19], [sflag:$0x9] =	stream.linear.gather [hbm4b:s10+s3], $0x1C0, $0x38;
	[tilespmem:$0x11B80] =	vst v63  }
0x86: {  	_ =	swait.ge [sflag:s18], $0x1C0  }
0x87: {  	[sflag:s18] =	ssyncset.done $0x0  }
0x88: {  	[sflag:s18] =	ssyncadd.s32 $0xFFFFFE40  }
0x89: {  	[tilespmem:s22], [sflag:$0x2] =	stream.indirect.gather [hbm4b:s2+s19], $0x40, s19, s19, $0xb8;
	[tilespmem:$0x11B80] =	vst v63  }
0x8a: {  	_ = 	snop  }
0x8b: {  	[tilespmem:s23], [sflag:$0x4] =	stream.indirect.gather [hbm4b:s4+s19], $0x10, s19, s19, $0xb8;
	[tilespmem:$0x11B80] =	vst v63  }
0x8c: {  	_ =	swait.ge [sflag:s24], $0x7000  }
0x8d: {  	[sflag:s24] =	ssyncset.done $0x0  }
0x8e: {  	[sflag:s24] =	ssyncadd.s32 $0xFFFF9000  }
0x8f: {  	_ =	swait.ge [sflag:s25], $0x1C00  }
0x90: {  	[sflag:s25] =	ssyncset.done $0x0  }
0x91: {  	[sflag:s25] =	ssyncadd.s32 $0xFFFFE400  }
0x92: {  	[hbm4b:s9+s3] =	stream.linear.scatter [tilespmem:s20], [sflag:$0x5], $0x7000, $0x38;
	[tilespmem:$0x11B80] =	vst v63  }
0x93: {  	s14 =	sadd.s32 s6, s16  }
0x94: {  	[hbm4b:s14+s3] =	stream.linear.scatter [tilespmem:s21], [sflag:$0x7], $0x1C00, $0x38;
	[tilespmem:$0x11B80] =	vst v63  }
0x95: {  	_ =	swait.ge [sflag:s26], $0x7000  }
0x96: {  	[sflag:s26] =	ssyncset.done $0x0  }
0x97: {  	[sflag:s26] =	ssyncadd.s32 $0xFFFF9000  }
0x98: {  	_ =	swait.ge [sflag:s28], $0x1C00  }
0x99: {  	s8 =	sshrl.u32 s8, $0x3;
	[sflag:s28] =	ssyncset.done $0x0  }
0x9a: {  	s8 =	sadd.s32 s5, s8;
	[sflag:s28] =	ssyncadd.s32 $0xFFFFE400  }
0x9b: {  	[tilespmem:s3], [sflag:$0x9] =	stream.linear.gather [hbm4b:s8+s3], $0x1C0, $0x38;
	[tilespmem:$0x11B80] =	vst v63  }
0x9c: {  	_ =	swait.ge [sflag:s18], $0x1C0  }
0x9d: {  	[sflag:s18] =	ssyncset.done $0x0  }
0x9e: {  	[sflag:s18] =	ssyncadd.s32 $0xFFFFFE40  }
0x9f: {  	[tilespmem:s20], [sflag:$0x1] =	stream.indirect.gather [hbm4b:s2+s19], $0x40, s3, s19, $0xb8;
	[tilespmem:$0x11B80] =	vst v63  }
0xa0: {  	_ = 	snop  }
0xa1: {  	[tilespmem:s21], [sflag:$0x3] =	stream.indirect.gather [hbm4b:s4+s19], $0x10, s3, s19, $0xb8;
	[tilespmem:$0x11B80] =	vst v63  }
0xa2: {  	_ =	swait.ge [sflag:s29], $0x7000  }
0xa3: {  	[sflag:s29] =	ssyncset.done $0x0  }
0xa4: {  	[sflag:s29] =	ssyncadd.s32 $0xFFFF9000  }
0xa5: {  	_ =	swait.ge [sflag:s30], $0x1C00  }
0xa6: {  	[sflag:s30] =	ssyncset.done $0x0  }
0xa7: {  	s15 =	rddreg [dreg:$0x3];
	[sflag:s30] =	ssyncadd.s32 $0xFFFFE400  }
0xa8: {  	[hbm4b:s7+s3] =	stream.linear.scatter [tilespmem:s22], [sflag:$0x6], $0x7000, $0x38;
	[tilespmem:$0x11B80] =	vst v63  }
0xa9: {  	s9 =	sadd.s32 s6, s15  }
0xaa: {  	[hbm4b:s9+s3] =	stream.linear.scatter [tilespmem:s23], [sflag:$0x8], $0x1C00, $0x38;
	[tilespmem:$0x11B80] =	vst v63  }
0xab: {  	_ =	swait.ge [sflag:s31], $0x7000  }
0xac: {  	[sflag:s31] =	ssyncset.done $0x0  }
0xad: {  	[sflag:s31] =	ssyncadd.s32 $0xFFFF9000  }
0xae: {  	_ =	swait.ge [sflag:s0], $0x1C00  }
0xaf: {  	[sflag:s0] =	ssyncset.done $0x0  }
0xb0: {  	s10 =	rddreg [dreg:$0x5];
	[sflag:s0] =	ssyncadd.s32 $0xFFFFE400  }
0xb1: {  	[tilespmem:s19], [sflag:$0x9] =	stream.linear.gather [hbm4b:s10+s3], $0x1C0, $0x38;
	[tilespmem:$0x11B80] =	vst v63  }
0xb2: {  	_ =	swait.ge [sflag:s18], $0x1C0  }
0xb3: {  	[sflag:s18] =	ssyncset.done $0x0  }
0xb4: {  	[sflag:s18] =	ssyncadd.s32 $0xFFFFFE40  }
0xb5: {  	[tilespmem:s22], [sflag:$0x2] =	stream.indirect.gather [hbm4b:s2+s19], $0x40, s19, s19, $0xb8;
	[tilespmem:$0x11B80] =	vst v63  }
0xb6: {  	_ = 	snop  }
0xb7: {  	[tilespmem:s23], [sflag:$0x4] =	stream.indirect.gather [hbm4b:s4+s19], $0x10, s19, s19, $0xb8;
	[tilespmem:$0x11B80] =	vst v63  }
0xb8: {  	_ =	swait.ge [sflag:s24], $0x7000  }
0xb9: {  	[sflag:s24] =	ssyncset.done $0x0  }
0xba: {  	[sflag:s24] =	ssyncadd.s32 $0xFFFF9000  }
0xbb: {  	_ =	swait.ge [sflag:s25], $0x1C00  }
0xbc: {  	[sflag:s25] =	ssyncset.done $0x0  }
0xbd: {  	s11 =	rddreg [dreg:$0x6];
	[sflag:s25] =	ssyncadd.s32 $0xFFFFE400  }
0xbe: {  	[hbm4b:s11+s3] =	stream.linear.scatter [tilespmem:s20], [sflag:$0x5], $0x7000, $0x38;
	[tilespmem:$0x11B80] =	vst v63  }
0xbf: {  	s12 =	rddreg [dreg:$0x7]  }
0xc0: {  	[hbm4b:s12+s3] =	stream.linear.scatter [tilespmem:s21], [sflag:$0x7], $0x1C00, $0x38;
	[tilespmem:$0x11B80] =	vst v63  }
0xc1: {  	_ =	swait.ge [sflag:s29], $0x7000  }
0xc2: {  	[sflag:s29] =	ssyncset.done $0x0  }
0xc3: {  	[sflag:s29] =	ssyncadd.s32 $0xFFFF9000  }
0xc4: {  	_ =	swait.ge [sflag:s30], $0x1C00  }
0xc5: {  	[sflag:s30] =	ssyncset.done $0x0  }
0xc6: {  	s13 =	rddreg [dreg:$0x8];
	[sflag:s30] =	ssyncadd.s32 $0xFFFFE400  }
0xc7: {  	[hbm4b:s13+s3] =	stream.linear.scatter [tilespmem:s22], [sflag:$0x6], $0x7000, $0x38;
	[tilespmem:$0x11B80] =	vst v63  }
0xc8: {  	s14 =	rddreg [dreg:$0x9]  }
0xc9: {  	[hbm4b:s14+s3] =	stream.linear.scatter [tilespmem:s23], [sflag:$0x8], $0x1C00, $0x38;
	[tilespmem:$0x11B80] =	vst v63  }
0xca: {  	_ =	swait.ge [sflag:s26], $0x7000  }
0xcb: {  	[sflag:s26] =	ssyncset.done $0x0  }
0xcc: {  	[sflag:s26] =	ssyncadd.s32 $0xFFFF9000  }
0xcd: {  	_ =	swait.ge [sflag:s28], $0x1C00  }
0xce: {  	[sflag:s28] =	ssyncset.done $0x0  }
0xcf: {  	[sflag:s28] =	ssyncadd.s32 $0xFFFFE400  }
0xd0: {  	_ =	swait.ge [sflag:s31], $0x7000  }
0xd1: {  	[sflag:s31] =	ssyncset.done $0x0  }
0xd2: {  	[sflag:s31] =	ssyncadd.s32 $0xFFFF9000  }
0xd3: {  	_ =	swait.ge [sflag:s0], $0x1C00  }
0xd4: {  	s1 =	sadd.s32 $0x1, s1;
	s15 =	rddreg [dreg:$0xa]  }
0xd5: {  	p0 =	sne.s32 s1, s15  }
.Ltmp1:
0xd6: {  	_ = 	snop;
	(pc) =	sbr.rel @p0 .LBB2_1-.Ltmp1, $3  }
0xd7: {  	_ =	sdelay $0x1  }
0xd8: {  	[sflag:s0] =	ssyncset.done $0x0  }
0xd9: {  	[sflag:s0] =	ssyncadd.s32 $0xFFFFE400  }
0xda: {  	_ =	sfence.sel $0x180000  }
0xdb: {  	[bflag:$0x0] =	sbarrier.arrive $0xFFFF  }
0xdc: {  	_ =	strace $0x90000047  }
0xdd: {  	s0 =	stileid.u32;
	[bflag:$0x2] =	sbarrier.arrive $0xFFFF  }
0xde: {  	p0 =	sne.s32 s0, $0x0;
	s0 =	rddreg [dreg:$0x2]  }
0xdf: {  	s0 =	sadd.s32 @!p0 $0x100000, s0  }
0xe0: {  	[sflag:s0] =	ssyncadd.tile.s32 @!p0 $0x1;
	_ =	shalt  }
.Lfunc_end2:
_tile_overlayer_lowered:
.L_overlay_start_2:
0xe1: {  	(tag) =	ssettag $0x2  }
0xe2: {  	s0 =	rddreg [dreg:$0x0];
	s2 =	stileid.u32  }
0xe3: {  	s1 =	rddreg [dreg:$0x1];
	p0 =	sne.s32 s2, $0x0  }
0xe4: {  	s3 =	rddreg [dreg:$0x2];
	[bflag:$0x3] =	sbarrier.arrive $0xFFFF;
	s2 =	simm.s32 @!p0 $0x1C09  }
0xe5: {  	[timem:s3], [sflag:s2] =	dma.local @!p0 [hbm:s0], s1  }
0xe6: {  	s0 =	simm.s32 @!p0 $0x9  }
0xe7: {  	_ =	swait.ge @!p0 [sflag:s0], s1  }
0xe8: {  	s1 =	ssub.s32 @!p0 $0x0, s1;
	[sflag:s0] =	ssyncset.done @!p0 $0x0  }
0xe9: {  	[sflag:s0] =	ssyncadd.s32 @!p0 s1  }
0xea: {  	[bflag:$0x3] =	sbarrier.arrive $0xFFFF  }
0xeb: {  	_ =	shalt  }

// kernel: kernel.9.cloned.1.call-start
scs
__scs_entry_jumppad:
0x0: {  	(pc) =	sbr.rel $0x88, $3  }
0x1: {  	(tag) =	ssettag $0x0;
	lr =	simm.s32 $0x1  }
0x2: {  	[smem:$0x3F9B] =	sst lr;
	_ =	strace $0xD0000000  }
0x3: {  	_ = 	snop  }
0x4: {  	_ = 	snop  }
0x5: {  	_ = 	snop  }
0x6: {  	_ = 	snop  }
0x7: {  	_ = 	snop  }
__scs_overlays_trampoline_lowered:
0x8: {  	[smem:$0x3FAA] =	sst s0  }
0x9: {  	[smem:$0x3FAB] =	sst s1  }
0xa: {  	[smem:$0x3FAC] =	sst s2  }
0xb: {  	[smem:$0x3FAD] =	sst s3  }
0xc: {  	[smem:$0x3FAE] =	sst s4  }
0xd: {  	[smem:$0x3FAF] =	sst s5  }
0xe: {  	[smem:$0x3FB0] =	sst s6  }
0xf: {  	[smem:$0x3FB1] =	sst s7  }
0x10: {  	[smem:$0x3FB2] =	sst s8  }
0x11: {  	[smem:$0x3FB3] =	sst s9;
	s0 =	simm.s32 @!p0 $0x0  }
0x12: {  	s1 =	sld [smem:$0x3F99];
	s0 =	simm.s32 @p0 $0x1  }
0x13: {  	[smem:$0x3FB4] =	sst s0;
	s0 =	simm.s32 @!p1 $0x0  }
0x14: {  	s2 =	sld [smem:$0x3F98];
	s0 =	simm.s32 @p1 $0x1  }
0x15: {  	[smem:$0x3FB5] =	sst s0;
	s0 =	simm.s32 @!p2 $0x0  }
0x16: {  	s3 =	sld [smem:$0x3FDB];
	s0 =	simm.s32 @p2 $0x1  }
0x17: {  	s4 =	simm.s32 $0x1BF5;
	[smem:$0x3FB7] =	sst s0  }
0x18: {  	s0 =	sld [smem:$0x3F9A];
	_ =	swait.ge [sflag:s4], $0x0  }
0x19: {  	s7 =	sld [smem:$0x3F9B]  }
0x1a: {  	s8 =	sadd.s32 $0xFFFFE003, lr  }
0x1b: {  	s9 =	sadd.s32 $0xFFFFFEF7, lr;
	s5 =	simm.s32 $0xFFFFFFFF;
	p2 =	slt.u32 s8, $0xFFFFF086  }
0x1c: {  	p1 =	slt.u32 s9, $0xF7A;
	s5 =	simm.s32 @!p2 $0x0  }
0x1d: {  	s5 =	simm.s32 @p1 $0x1;
	p0 =	seq.s32 s7, s2  }
0x1e: {  	s7 =	smul.u32 @!p0 $0xF7A, s2;
	p2 =	seq.s32 @!p0 s5, $0x0  }
0x1f: {  	s9 =	smul.u32 $0xF7A, s1;
	s8 =	simm.s32 @!p0 $0x1BF5;
	p2 =	por !p2, p0  }
0x20: {  	[sflag:s8] =	ssyncset.s32 @!p0 $0xFFFFF086;
	s6 =	sadd.s32 @!p0 s3, s7;
	s7 =	simm.s32 @!p0 $0x108  }
0x21: {  	s3 =	sadd.s32 s3, s9;
	s6 =	sadd.s32 @!p0 $0x88, s6;
	s7 =	simm.s32 @p2 $0x1082  }
0x22: {  	[simem:s7], [sflag:s8] =	dma.local @!p0 [hbm:s6], $0xF7A  }
0x23: {  	s9 =	sor.u32 $0xD0000000, s2;
	s6 =	simm.s32 $0x108;
	_ =	swait.ge @!p0 [sflag:s8], $0x0  }
0x24: {  	s3 =	sadd.s32 $0x88, s3;
	s6 =	simm.s32 @!p1 $0x1082;
	[sflag:s4] =	ssyncset.s32 $0xFFFFF086  }
0x25: {  	[simem:s6], [sflag:s4] =	dma.local [hbm:s3], $0xF7A  }
0x26: {  	[smem:$0x3F9B] =	sst s1;
	(tag) =	ssettag s2;
	_ =	strace s9  }
0x27: {  	s1 =	sld [smem:$0x3FAB]  }
0x28: {  	s2 =	sld [smem:$0x3FAC]  }
0x29: {  	s4 =	sld [smem:$0x3FAE]  }
0x2a: {  	p0 =	seq.s32 s5, $0x0;
	s5 =	sld [smem:$0x3FAF]  }
0x2b: {  	s6 =	sld [smem:$0x3FB0]  }
0x2c: {  	s7 =	sld [smem:$0x3FB1]  }
0x2d: {  	s3 =	simm.s32 $0x108;
	s8 =	sld [smem:$0x3FB2]  }
0x2e: {  	s3 =	simm.s32 @!p0 $0x1082;
	s9 =	sld [smem:$0x3FB3]  }
0x2f: {  	lr =	sadd.s32 s0, s3;
	s0 =	sld [smem:$0x3FAA]  }
0x30: {  	s3 =	sld [smem:$0x3FAD]  }
0x31: {  	[smem:$0x3FB6] =	sst s10  }
0x32: {  	s10 =	sld [smem:$0x3FB4];
	_ =	sdelay $0x3  }
0x33: {  	p0 =	seq.s32 s10, $0x1;
	s10 =	sld [smem:$0x3FB6];
	_ =	sdelay $0x3  }
0x34: {  	[smem:$0x3FB6] =	sst s10  }
0x35: {  	s10 =	sld [smem:$0x3FB5];
	_ =	sdelay $0x3  }
0x36: {  	p1 =	seq.s32 s10, $0x1;
	s10 =	sld [smem:$0x3FB6];
	_ =	sdelay $0x3  }
0x37: {  	[smem:$0x3FB6] =	sst s10  }
0x38: {  	s10 =	sld [smem:$0x3FB7]  }
0x39: {  	_ = 	snop;
	(pc) =	sbr.ind lr, $3  }
0x3a: {  	_ = 	snop  }
0x3b: {  	_ = 	snop  }
0x3c: {  	p2 =	seq.s32 s10, $0x1;
	s10 =	sld [smem:$0x3FB6]  }
0x3d: {  	_ =	shalt  }
0x3e: {  	_ =	shalt  }
0x3f: {  	_ =	shalt  }
0x40: {  	_ =	shalt  }
0x41: {  	_ =	shalt  }
0x42: {  	_ =	shalt  }
0x43: {  	_ =	shalt  }
0x44: {  	_ =	shalt  }
0x45: {  	_ =	shalt  }
0x46: {  	_ =	shalt  }
0x47: {  	_ =	shalt  }
0x48: {  	_ =	shalt  }
0x49: {  	_ =	shalt  }
0x4a: {  	_ =	shalt  }
0x4b: {  	_ =	shalt  }
0x4c: {  	_ =	shalt  }
0x4d: {  	_ =	shalt  }
0x4e: {  	_ =	shalt  }
0x4f: {  	_ =	shalt  }
0x50: {  	_ =	shalt  }
0x51: {  	_ =	shalt  }
0x52: {  	_ =	shalt  }
0x53: {  	_ =	shalt  }
0x54: {  	_ =	shalt  }
0x55: {  	_ =	shalt  }
0x56: {  	_ =	shalt  }
0x57: {  	_ =	shalt  }
0x58: {  	_ =	shalt  }
0x59: {  	_ =	shalt  }
0x5a: {  	_ =	shalt  }
0x5b: {  	_ =	shalt  }
0x5c: {  	_ =	shalt  }
0x5d: {  	_ =	shalt  }
0x5e: {  	_ =	shalt  }
0x5f: {  	_ =	shalt  }
0x60: {  	_ =	shalt  }
0x61: {  	_ =	shalt  }
0x62: {  	_ =	shalt  }
0x63: {  	_ =	shalt  }
0x64: {  	_ =	shalt  }
0x65: {  	_ =	shalt  }
0x66: {  	_ =	shalt  }
0x67: {  	_ =	shalt  }
0x68: {  	_ =	shalt  }
0x69: {  	_ =	shalt  }
0x6a: {  	_ =	shalt  }
0x6b: {  	_ =	shalt  }
0x6c: {  	_ =	shalt  }
0x6d: {  	_ =	shalt  }
0x6e: {  	_ =	shalt  }
0x6f: {  	_ =	shalt  }
0x70: {  	_ =	shalt  }
0x71: {  	_ =	shalt  }
0x72: {  	_ =	shalt  }
0x73: {  	_ =	shalt  }
0x74: {  	_ =	shalt  }
0x75: {  	_ =	shalt  }
0x76: {  	_ =	shalt  }
0x77: {  	_ =	shalt  }
0x78: {  	_ =	shalt  }
0x79: {  	_ =	shalt  }
0x7a: {  	_ =	shalt  }
0x7b: {  	_ =	shalt  }
0x7c: {  	_ =	shalt  }
0x7d: {  	_ =	shalt  }
0x7e: {  	_ =	shalt  }
0x7f: {  	_ =	shalt  }
0x80: {  	_ =	shalt  }
0x81: {  	_ =	shalt  }
0x82: {  	_ =	shalt  }
0x83: {  	_ =	shalt  }
0x84: {  	_ =	shalt  }
0x85: {  	_ =	shalt  }
0x86: {  	_ =	shalt  }
0x87: {  	_ =	shalt  }
.Lfunc_end0:
.L_simem_size_0:
called_computation.1_lowered:
.L_overlay_start_0:
0x88: {  	s2 =	sld [smem:$0x3FD9]  }
0x89: {  	s3 =	sld [smem:$0x3FFE];
	_ =	sdelay $0x1  }
0x8a: {  	s1 =	srdreg.scid  }
0x8b: {  	s0 =	sand.u32 $0x1, s1  }
0x8c: {  	s17 =	sshll.u32 s0, $0xA;
	s2 =	sadd.s32 s3, s2  }
0x8d: {  	s2 =	sadd.s32 s2, s17  }
0x8e: {  	[smem:$0x3FC2] =	sst s2  }
0x8f: {  	_ = 	snop  }
0x90: {  	s18 =	sld [smem:$0x3FD0];
	(tm) =	ssettm $0x1  }
0x91: {  	s19 =	sld [smem:$0x3FFB];
	_ =	sdelay $0x3  }
0x92: {  	_ =	strace s19  }
0x93: {  	s2 =	sld [smem:$0x3FFC];
	_ =	sdelay $0x3  }
0x94: {  	_ =	strace s2  }
0x95: {  	s2 =	sld [smem:$0x3FFD];
	_ =	sdelay $0x3  }
0x96: {  	_ =	strace s2  }
0x97: {  	_ =	strace $0x8FFFFFFF  }
0x98: {  	s20 =	sld [smem:$0x3FDB];
	_ =	sdelay $0x1  }
0x99: {  	s4 =	simm.s32 $_scs_section_size  }
0x9a: {  	s5 =	simm.s32 $_size__tile_overlayer_lowered;
	s6 =	simm.s32 $_tile_overlayer_lowered  }
0x9b: {  	s7 =	simm.s32 $0x1BFF;
	s21 =	sshll.u32 s6, $0x1;
	s4 =	sadd.s32 s4, s20  }
0x9c: {  	s22 =	simm.s32 $0x0;
	s5 =	sshll.u32 s5, $0x1;
	s6 =	sadd.s32 s21, s4  }
0x9d: {  	[timem:s22], [sflag:s7] =	dma.local [hbm:s6], s5  }
0x9e: {  	_ =	swait.ge [sflag:s7], s5  }
0x9f: {  	s5 =	ssub.s32 $0x0, s5;
	[sflag:s7] =	ssyncset.done $0x0  }
0xa0: {  	[sflag:s7] =	ssyncadd.s32 s5;
	_ =	sdelay $0x1  }
0xa1: {  	s23 =	simm.s32 $0x1B8B  }
0xa2: {  	_ =	swait.ge [sflag:s23], $0x1  }
0xa3: {  	[sflag:s23] =	ssyncset.done $0x0  }
0xa4: {  	[sflag:s23] =	ssyncadd.s32 $0xFFFFFFFF  }
0xa5: {  	s5 =	sld [smem:$0x0]  }
0xa6: {  	s6 =	sand.u32 $0xFFFFFFFE, s1  }
0xa7: {  	p0 =	sne.s32 s1, s6  }
0xa8: {  	s6 =	sshll.u32 @p0 s6, $0xE  }
0xa9: {  	s6 =	sadd.s32 @p0 $0x11B8D, s6;
	s7 =	sshll.u32 @p0 s5, $0x11  }
0xaa: {  	s6 =	sor.u32 @p0 s7, s6  }
0xab: {  	[sflag:s6] =	ssyncadd.remote.s32 @p0 $0x1;
	_ =	sdelay $0x1  }
0xac: {  	s6 =	simm.s32 @p0 $0x1B8D  }
0xad: {  	_ =	swait.eq @p0 [sflag:s6], $0x1  }
0xae: {  	[sflag:s6] =	ssyncadd.s32 @p0 $0xFFFFFFFF  }
0xaf: {  	s7 =	sshll.u32 @!p0 s1, $0xE  }
0xb0: {  	s7 =	sor.u32 @!p0 $0x4000, s7;
	s6 =	simm.s32 @!p0 $0x1B8D  }
0xb1: {  	s5 =	sshll.u32 @!p0 s5, $0x11;
	s7 =	sadd.s32 @!p0 $0x11B8D, s7;
	_ =	swait.eq @!p0 [sflag:s6], $0x1  }
0xb2: {  	s5 =	sor.u32 @!p0 s5, s7;
	[sflag:s6] =	ssyncadd.s32 @!p0 $0xFFFFFFFF  }
0xb3: {  	s25 =	simm.s32 $0x1B8E;
	s24 =	sld [smem:$0x3FFE];
	[sflag:s5] =	ssyncadd.remote.s32 @!p0 $0x1  }
0xb4: {  	s26 =	simm.s32 $execute0_lowered;
	[smem:$0x3FD2] =	sst s25  }
0xb5: {  	s6 =	sshll.u32 s26, $0x1;
	_ =	strace $0x80000049;
	[dreg:$0x1] =	wrdreg $0xFFFFFFFF  }
0xb6: {  	s28 =	simm.s32 $_size_execute0_lowered;
	s4 =	sadd.s32 s4, s6;
	[dreg:$0x0] =	wrdreg $0x0  }
0xb7: {  	s6 =	sshll.u32 s28, $0x1;
	[dreg:$0x2] =	wrdreg s4  }
0xb8: {  	[dreg:$0x3] =	wrdreg s6  }
0xb9: {  	[dreg:$0x4] =	wrdreg $0xC0  }
0xba: {  	_ =	task [dreg:s22], $0x5FFFF  }
0xbb: {  	[dreg:$0x1] =	wrdreg $0xFFFFFFFF  }
0xbc: {  	[dreg:$0x0] =	wrdreg $0x60  }
0xbd: {  	[dreg:$0x2] =	wrdreg s18  }
0xbe: {  	[dreg:$0x3] =	wrdreg s24  }
0xbf: {  	[dreg:$0x4] =	wrdreg $0xA  }
0xc0: {  	_ =	task.clear_ibuf [dreg:s22], $0x5FFFF;
	_ =	strace $0x90000049  }
0xc1: {  	s29 =	simm.s32 $0xA;
	_ =	strace $0x8000004B  }
0xc2: {  	_ =	swait.ge [sflag:s29], $0x1  }
0xc3: {  	[sflag:s29] =	ssyncadd.s32 $0xFFFFFFFF  }
0xc4: {  	_ =	strace $0x9000004B  }
0xc5: {  	_ =	sfence  }
0xc6: {  	s30 =	sld [smem:$0x0];
	_ =	sdelay $0x2  }
0xc7: {  	s31 =	sshll.u32 s1, $0xD;
	s1 =	sshrl.u32 s1, $0x2  }
0xc8: {  	s4 =	sand.u32 $0x4000, s31;
	s1 =	sadd.s32 s1, s30  }
0xc9: {  	s0 =	sor.u32 s4, s0;
	s1 =	sshll.u32 s1, $0x11  }
0xca: {  	s0 =	sor.u32 s1, s0  }
0xcb: {  	s0 =	sadd.s32 $0x8F2B, s0  }
0xcc: {  	[sflag:s0] =	ssyncadd.remote.s32 $0x1  }
0xcd: {  	_ =	sfence.sel $0xFFFF  }
0xce: {  	[dreg:$0x0] =	wrdreg $0xFFFFFFFF;
	(pc) =	sbr.abs _section_cstart, $3  }
0xcf: {  	[dreg:$0x1] =	wrdreg $0xFFFFFFFF  }
0xd0: {  	_ =	task.clear_ibuf [dreg:s22], $0x2FFFF;
	_ =	strace $0x9FFFFFFF  }
0xd1: {  	(tm) =	ssettm $0x7FFFFFFF  }
tec
execute0_lowered:
.L_overlay_start_1:
0x0: {  	(tag) =	ssettag $0x1  }
0x1: {  	s2 =	rddreg [dreg:$0x0]  }
0x2: {  	s0 =	rddreg [dreg:$0x1]  }
0x3: {  	s1 =	srdreg.scid;
	s14 =	stileid.u32  }
0x4: {  	s3 =	simm.s32 $0x0;
	s28 =	simm.s32 $0x7;
	s29 =	simm.s32 $0x2  }
0x5: {  	s30 =	simm.s32 $0x4;
	s31 =	simm.s32 $0x6;
	s11 =	smul.u32 $0x6200, s14  }
0x6: {  	s1 =	sand.u32 $0x1, s1;
	s4 =	sshll.u32 s14, $0x1;
	s23 =	smul.u32 $0xC400, s14  }
0x7: {  	[smem:$0x7FF] =	sst s3;
	s7 =	sadd.s32 $0x407600, s0;
	s26 =	smul.u32 $0x31000, s14  }
0x8: {  	s5 =	sor.u32 s1, s4;
	_ =	strace $0x8000004A;
	s25 =	smul.u32 $0x6200, s1  }
0x9: {  	s4 =	sadd.s32 $0x2600, s0;
	s8 =	ssub.s32 $0x2, s1;
	s6 =	smul.u32 $0x3100, s5  }
0xa: {  	s5 =	sadd.s32 $0x3FB200, s0;
	s0 =	sadd.s32 $0x717600, s0;
	s9 =	sshrl.u32 s8, $0x1  }
0xb: {  	s8 =	ssub.s32 s8, s9;
	s10 =	sshrl.u32 s6, $0x3;
	s15 =	sadd.s32 $0x2F40, s6  }
0xc: {  	s6 =	sadd.s32 $0x2D80, s6;
	s8 =	smax.u32 s8, $0x1;
	s13 =	sadd.s32 s5, s10  }
0xd: {  	s16 =	sshrl.u32 s15, $0x3;
	s12 =	sshll.u32 s6, $0x3;
	[dreg:$0xa] =	wrdreg s8  }
0xe: {  	s6 =	sshll.u32 s6, $0x1;
	[dreg:$0x4] =	wrdreg s13;
	s10 =	sadd.s32 s5, s16  }
0xf: {  	s18 =	sshll.u32 s15, $0x3;
	s17 =	sadd.s32 s7, s12;
	[dreg:$0x5] =	wrdreg s10  }
0x10: {  	s9 =	sshll.u32 s15, $0x1;
	s6 =	sadd.s32 s0, s6;
	[dreg:$0x6] =	wrdreg s17  }
0x11: {  	s13 =	smul.u32 $0x3100, s1;
	s20 =	sadd.s32 s0, s9;
	[dreg:$0x7] =	wrdreg s6  }
0x12: {  	s1 =	smul.u32 $0x18800, s1;
	s6 =	sadd.s32 s7, s18;
	[dreg:$0x9] =	wrdreg s20  }
0x13: {  	s18 =	simm.s32 $0x9;
	s20 =	simm.s32 $0x380;
	s19 =	sadd.s32 s13, s11  }
0x14: {  	[dreg:$0x8] =	wrdreg s6;
	s21 =	sadd.s32 $0x1C0, s19;
	s10 =	sadd.s32 $0x380, s19  }
0x15: {  	s19 =	simm.s32 $0x1C0;
	s22 =	sshrl.u32 s21, $0x6;
	[dreg:$0xb] =	wrdreg s10  }
0x16: {  	s6 =	sshrl.u32 s21, $0x3;
	s21 =	simm.s32 $0xE380;
	s24 =	sshll.u32 s22, $0x7  }
0x17: {  	s8 =	sshll.u32 s22, $0x9;
	s6 =	sadd.s32 s6, s5;
	s22 =	simm.s32 $0x7380  }
0x18: {  	s10 =	sadd.s32 s24, s0;
	s8 =	sadd.s32 s8, s7;
	s0 =	sadd.s32 s23, s0  }
0x19: {  	s7 =	sadd.s32 s26, s7;
	[dreg:$0xd] =	wrdreg s6;
	s23 =	simm.s32 $0xFF80  }
0x1a: {  	s24 =	simm.s32 $0x1;
	s26 =	simm.s32 $0x5;
	[dreg:$0x3] =	wrdreg s10  }
0x1b: {  	[dreg:$0xc] =	wrdreg s8;
	s16 =	sadd.s32 s25, s0;
	s17 =	sadd.s32 s1, s7  }
0x1c: {  	s25 =	simm.s32 $0x3;
	s0 =	simm.s32 $0x8;
	s1 =	simm.s32 $0x0  }
.LBB2_1:
0x1d: {  	s6 =	rddreg [dreg:$0x4]  }
0x1e: {  	[tilespmem:s3], [sflag:$0x9] =	stream.linear.gather [hbm4b:s6+s3], $0x1C0, $0x38;
	[tilespmem:$0x11B80] =	vst v63  }
0x1f: {  	_ =	swait.ge [sflag:s18], $0x1C0  }
0x20: {  	[sflag:s18] =	ssyncset.done $0x0  }
0x21: {  	p0 =	por $0x1, $0x1;
	[sflag:s18] =	ssyncadd.s32 $0xFFFFFE40  }
0x22: {  	[tilespmem:s20], [sflag:$0x1] =	stream.indirect.gather [hbm4b:s2+s19], $0x40, s3, s19, $0xb8;
	[tilespmem:$0x11B80] =	vst v63  }
0x23: {  	s6 =	simm.s32 @!p0 $0x6  }
0x24: {  	[tilespmem:s21], [sflag:$0x3] =	stream.indirect.gather [hbm4b:s4+s19], $0x10, s3, s19, $0xb8;
	[tilespmem:$0x11B80] =	vst v63  }
0x25: {  	_ =	swait.ge @!p0 [sflag:s6], $0x7000  }
0x26: {  	[sflag:s6] =	ssyncset.done @!p0 $0x0  }
0x27: {  	[sflag:s6] =	ssyncadd.s32 @!p0 $0xFFFF9000;
	s6 =	simm.s32 @!p0 $0x8  }
0x28: {  	_ =	swait.ge @!p0 [sflag:s6], $0x1C00  }
0x29: {  	[sflag:s6] =	ssyncset.done @!p0 $0x0  }
0x2a: {  	s7 =	rddreg [dreg:$0xd];
	[sflag:s6] =	ssyncadd.s32 @!p0 $0xFFFFE400  }
0x2b: {  	[tilespmem:s19], [sflag:$0x9] =	stream.linear.gather [hbm4b:s7+s3], $0x1C0, $0x38;
	[tilespmem:$0x11B80] =	vst v63  }
0x2c: {  	_ =	swait.ge [sflag:s18], $0x1C0  }
0x2d: {  	[sflag:s18] =	ssyncset.done $0x0  }
0x2e: {  	[sflag:s18] =	ssyncadd.s32 $0xFFFFFE40  }
0x2f: {  	[tilespmem:s22], [sflag:$0x2] =	stream.indirect.gather [hbm4b:s2+s19], $0x40, s19, s19, $0xb8;
	[tilespmem:$0x11B80] =	vst v63  }
0x30: {  	_ = 	snop  }
0x31: {  	[tilespmem:s23], [sflag:$0x4] =	stream.indirect.gather [hbm4b:s4+s19], $0x10, s19, s19, $0xb8;
	[tilespmem:$0x11B80] =	vst v63  }
0x32: {  	_ =	swait.ge [sflag:s24], $0x7000  }
0x33: {  	[sflag:s24] =	ssyncset.done $0x0  }
0x34: {  	[sflag:s24] =	ssyncadd.s32 $0xFFFF9000  }
0x35: {  	_ =	swait.ge [sflag:s25], $0x1C00  }
0x36: {  	[sflag:s25] =	ssyncset.done $0x0  }
0x37: {  	[sflag:s25] =	ssyncadd.s32 $0xFFFFE400  }
0x38: {  	[hbm4b:s17+s3] =	stream.linear.scatter [tilespmem:s20], [sflag:$0x5], $0x7000, $0x38;
	[tilespmem:$0x11B80] =	vst v63  }
0x39: {  	s13 =	sadd.s32 $0x0, s16  }
0x3a: {  	[hbm4b:s13+s3] =	stream.linear.scatter [tilespmem:s21], [sflag:$0x7], $0x1C00, $0x38;
	[tilespmem:$0x11B80] =	vst v63  }
0x3b: {  	_ =	swait.ge [sflag:s26], $0x7000  }
0x3c: {  	[sflag:s26] =	ssyncset.done $0x0  }
0x3d: {  	[sflag:s26] =	ssyncadd.s32 $0xFFFF9000  }
0x3e: {  	_ =	swait.ge [sflag:s28], $0x1C00  }
0x3f: {  	s8 =	rddreg [dreg:$0xb]  }
0x40: {  	[sflag:s28] =	ssyncset.done $0x0;
	s14 =	sshrl.u32 s8, $0x3  }
0x41: {  	[sflag:s28] =	ssyncadd.s32 $0xFFFFE400;
	s6 =	sadd.s32 s5, s14  }
0x42: {  	[tilespmem:s3], [sflag:$0x9] =	stream.linear.gather [hbm4b:s6+s3], $0x1C0, $0x38;
	[tilespmem:$0x11B80] =	vst v63  }
0x43: {  	_ =	swait.ge [sflag:s18], $0x1C0  }
0x44: {  	[sflag:s18] =	ssyncset.done $0x0  }
0x45: {  	[sflag:s18] =	ssyncadd.s32 $0xFFFFFE40  }
0x46: {  	[tilespmem:s20], [sflag:$0x1] =	stream.indirect.gather [hbm4b:s2+s19], $0x40, s3, s19, $0xb8;
	[tilespmem:$0x11B80] =	vst v63  }
0x47: {  	_ = 	snop  }
0x48: {  	[tilespmem:s21], [sflag:$0x3] =	stream.indirect.gather [hbm4b:s4+s19], $0x10, s3, s19, $0xb8;
	[tilespmem:$0x11B80] =	vst v63  }
0x49: {  	_ =	swait.ge [sflag:s29], $0x7000  }
0x4a: {  	s11 =	simm.s32 $0xE00;
	s9 =	sadd.s32 $0x1C00, s17;
	[sflag:s29] =	ssyncset.done $0x0  }
0x4b: {  	p1 =	por $0x0, $0x0;
	s12 =	simm.s32 $0x0;
	[sflag:s29] =	ssyncadd.s32 $0xFFFF9000  }
0x4c: {  	s10 =	sadd.s32 $0x70, s7;
	s8 =	sadd.s32 $0x380, s8;
	_ =	swait.ge [sflag:s30], $0x1C00  }
0x4d: {  	s6 =	simm.s32 $0x700;
	[sflag:s30] =	ssyncset.done $0x0;
	s15 =	rddreg [dreg:$0xc]  }
0x4e: {  	s14 =	rddreg [dreg:$0x3];
	[sflag:s30] =	ssyncadd.s32 $0xFFFFE400;
	s7 =	sadd.s32 $0x1C00, s15  }
0x4f: {  	[hbm4b:s15+s3] =	stream.linear.scatter [tilespmem:s22], [sflag:$0x6], $0x7000, $0x38;
	[tilespmem:$0x11B80] =	vst v63  }
.LBB2_2:
0x50: {  	s15 =	simm.s32 @!p1 $0x6;
	s14 =	sadd.s32 s12, s14  }
0x51: {  	[hbm4b:s14+s3] =	stream.linear.scatter [tilespmem:s23], [sflag:$0x8], $0x1C00, $0x38;
	[tilespmem:$0x11B80] =	vst v63  }
0x52: {  	_ =	swait.ge @!p1 [sflag:s15], $0x7000  }
0x53: {  	[sflag:s15] =	ssyncset.done @!p1 $0x0  }
0x54: {  	s14 =	simm.s32 @!p1 $0x8;
	[sflag:s15] =	ssyncadd.s32 @!p1 $0xFFFF9000  }
0x55: {  	_ =	swait.ge @!p1 [sflag:s14], $0x1C00  }
0x56: {  	[sflag:s14] =	ssyncset.done @!p1 $0x0  }
0x57: {  	[sflag:s14] =	ssyncadd.s32 @!p1 $0xFFFFE400  }
0x58: {  	[tilespmem:s19], [sflag:$0x9] =	stream.linear.gather [hbm4b:s10+s3], $0x1C0, $0x38;
	[tilespmem:$0x11B80] =	vst v63  }
0x59: {  	_ =	swait.ge [sflag:s18], $0x1C0  }
0x5a: {  	[sflag:s18] =	ssyncset.done $0x0  }
0x5b: {  	[sflag:s18] =	ssyncadd.s32 $0xFFFFFE40  }
0x5c: {  	[tilespmem:s22], [sflag:$0x2] =	stream.indirect.gather [hbm4b:s2+s19], $0x40, s19, s19, $0xb8;
	[tilespmem:$0x11B80] =	vst v63  }
0x5d: {  	_ = 	snop  }
0x5e: {  	[tilespmem:s23], [sflag:$0x4] =	stream.indirect.gather [hbm4b:s4+s19], $0x10, s19, s19, $0xb8;
	[tilespmem:$0x11B80] =	vst v63  }
0x5f: {  	_ =	swait.ge [sflag:s24], $0x7000  }
0x60: {  	[sflag:s24] =	ssyncset.done $0x0  }
0x61: {  	[sflag:s24] =	ssyncadd.s32 $0xFFFF9000  }
0x62: {  	_ =	swait.ge [sflag:s25], $0x1C00  }
0x63: {  	[sflag:s25] =	ssyncset.done $0x0  }
0x64: {  	s12 =	smov.u32 s6;
	[sflag:s25] =	ssyncadd.s32 $0xFFFFE400  }
0x65: {  	[hbm4b:s9+s3] =	stream.linear.scatter [tilespmem:s20], [sflag:$0x5], $0x7000, $0x38;
	[tilespmem:$0x11B80] =	vst v63  }
0x66: {  	s15 =	sadd.s32 s12, s16  }
0x67: {  	[hbm4b:s15+s3] =	stream.linear.scatter [tilespmem:s21], [sflag:$0x7], $0x1C00, $0x38;
	[tilespmem:$0x11B80] =	vst v63  }
0x68: {  	_ =	swait.ge [sflag:s26], $0x7000  }
0x69: {  	[sflag:s26] =	ssyncset.done $0x0  }
0x6a: {  	[sflag:s26] =	ssyncadd.s32 $0xFFFF9000  }
0x6b: {  	_ =	swait.ge [sflag:s28], $0x1C00  }
0x6c: {  	s15 =	sshrl.u32 s8, $0x3;
	[sflag:s28] =	ssyncset.done $0x0  }
0x6d: {  	s14 =	sadd.s32 s5, s15;
	[sflag:s28] =	ssyncadd.s32 $0xFFFFE400  }
0x6e: {  	[tilespmem:s3], [sflag:$0x9] =	stream.linear.gather [hbm4b:s14+s3], $0x1C0, $0x38;
	[tilespmem:$0x11B80] =	vst v63  }
0x6f: {  	_ =	swait.ge [sflag:s18], $0x1C0  }
0x70: {  	[sflag:s18] =	ssyncset.done $0x0  }
0x71: {  	[sflag:s18] =	ssyncadd.s32 $0xFFFFFE40  }
0x72: {  	[tilespmem:s20], [sflag:$0x1] =	stream.indirect.gather [hbm4b:s2+s19], $0x40, s3, s19, $0xb8;
	[tilespmem:$0x11B80] =	vst v63  }
0x73: {  	_ = 	snop  }
0x74: {  	[tilespmem:s21], [sflag:$0x3] =	stream.indirect.gather [hbm4b:s4+s19], $0x10, s3, s19, $0xb8;
	[tilespmem:$0x11B80] =	vst v63  }
0x75: {  	s6 =	smov.u32 s11;
	s11 =	sadd.s32 $0x700, s11;
	_ =	swait.ge [sflag:s29], $0x7000  }
0x76: {  	p0 =	sne.s32 s11, $0x5B00;
	[sflag:s29] =	ssyncset.done $0x0  }
.Ltmp0:
0x77: {  	s13 =	smov.u32 s7;
	[sflag:s29] =	ssyncadd.s32 $0xFFFF9000;
	(pc) =	sbr.rel @p0 .LBB2_2-.Ltmp0, $4  }
0x78: {  	s7 =	sadd.s32 $0x1C00, s7;
	p1 =	seq.s32 s6, $0x0;
	_ =	swait.ge [sflag:s30], $0x1C00  }
0x79: {  	s10 =	sadd.s32 $0x70, s10;
	s9 =	sadd.s32 $0x1C00, s9;
	[sflag:s30] =	ssyncset.done $0x0  }
0x7a: {  	s8 =	sadd.s32 $0x380, s8;
	s14 =	rddreg [dreg:$0x3];
	[sflag:s30] =	ssyncadd.s32 $0xFFFFE400  }
0x7b: {  	[hbm4b:s13+s3] =	stream.linear.scatter [tilespmem:s22], [sflag:$0x6], $0x7000, $0x38;
	[tilespmem:$0x11B80] =	vst v63  }
0x7c: {  	s11 =	sadd.s32 s12, s14  }
0x7d: {  	[hbm4b:s11+s3] =	stream.linear.scatter [tilespmem:s23], [sflag:$0x8], $0x1C00, $0x38;
	[tilespmem:$0x11B80] =	vst v63  }
0x7e: {  	s11 =	simm.s32 @!p1 $0x6  }
0x7f: {  	_ =	swait.ge @!p1 [sflag:s11], $0x7000  }
0x80: {  	[sflag:s11] =	ssyncset.done @!p1 $0x0  }
0x81: {  	[sflag:s11] =	ssyncadd.s32 @!p1 $0xFFFF9000;
	s11 =	simm.s32 @!p1 $0x8  }
0x82: {  	_ =	swait.ge @!p1 [sflag:s11], $0x1C00  }
0x83: {  	[sflag:s11] =	ssyncset.done @!p1 $0x0  }
0x84: {  	[sflag:s11] =	ssyncadd.s32 @!p1 $0xFFFFE400  }
0x85: {  	[tilespmem:s19], [sflag:$0x9] =	stream.linear.gather [hbm4b:s10+s3], $0x1C0, $0x38;
	[tilespmem:$0x11B80] =	vst v63  }
0x86: {  	_ =	swait.ge [sflag:s18], $0x1C0  }
0x87: {  	[sflag:s18] =	ssyncset.done $0x0  }
0x88: {  	[sflag:s18] =	ssyncadd.s32 $0xFFFFFE40  }
0x89: {  	[tilespmem:s22], [sflag:$0x2] =	stream.indirect.gather [hbm4b:s2+s19], $0x40, s19, s19, $0xb8;
	[tilespmem:$0x11B80] =	vst v63  }
0x8a: {  	_ = 	snop  }
0x8b: {  	[tilespmem:s23], [sflag:$0x4] =	stream.indirect.gather [hbm4b:s4+s19], $0x10, s19, s19, $0xb8;
	[tilespmem:$0x11B80] =	vst v63  }
0x8c: {  	_ =	swait.ge [sflag:s24], $0x7000  }
0x8d: {  	[sflag:s24] =	ssyncset.done $0x0  }
0x8e: {  	[sflag:s24] =	ssyncadd.s32 $0xFFFF9000  }
0x8f: {  	_ =	swait.ge [sflag:s25], $0x1C00  }
0x90: {  	[sflag:s25] =	ssyncset.done $0x0  }
0x91: {  	[sflag:s25] =	ssyncadd.s32 $0xFFFFE400  }
0x92: {  	[hbm4b:s9+s3] =	stream.linear.scatter [tilespmem:s20], [sflag:$0x5], $0x7000, $0x38;
	[tilespmem:$0x11B80] =	vst v63  }
0x93: {  	s14 =	sadd.s32 s6, s16  }
0x94: {  	[hbm4b:s14+s3] =	stream.linear.scatter [tilespmem:s21], [sflag:$0x7], $0x1C00, $0x38;
	[tilespmem:$0x11B80] =	vst v63  }
0x95: {  	_ =	swait.ge [sflag:s26], $0x7000  }
0x96: {  	[sflag:s26] =	ssyncset.done $0x0  }
0x97: {  	[sflag:s26] =	ssyncadd.s32 $0xFFFF9000  }
0x98: {  	_ =	swait.ge [sflag:s28], $0x1C00  }
0x99: {  	s8 =	sshrl.u32 s8, $0x3;
	[sflag:s28] =	ssyncset.done $0x0  }
0x9a: {  	s8 =	sadd.s32 s5, s8;
	[sflag:s28] =	ssyncadd.s32 $0xFFFFE400  }
0x9b: {  	[tilespmem:s3], [sflag:$0x9] =	stream.linear.gather [hbm4b:s8+s3], $0x1C0, $0x38;
	[tilespmem:$0x11B80] =	vst v63  }
0x9c: {  	_ =	swait.ge [sflag:s18], $0x1C0  }
0x9d: {  	[sflag:s18] =	ssyncset.done $0x0  }
0x9e: {  	[sflag:s18] =	ssyncadd.s32 $0xFFFFFE40  }
0x9f: {  	[tilespmem:s20], [sflag:$0x1] =	stream.indirect.gather [hbm4b:s2+s19], $0x40, s3, s19, $0xb8;
	[tilespmem:$0x11B80] =	vst v63  }
0xa0: {  	_ = 	snop  }
0xa1: {  	[tilespmem:s21], [sflag:$0x3] =	stream.indirect.gather [hbm4b:s4+s19], $0x10, s3, s19, $0xb8;
	[tilespmem:$0x11B80] =	vst v63  }
0xa2: {  	_ =	swait.ge [sflag:s29], $0x7000  }
0xa3: {  	[sflag:s29] =	ssyncset.done $0x0  }
0xa4: {  	[sflag:s29] =	ssyncadd.s32 $0xFFFF9000  }
0xa5: {  	_ =	swait.ge [sflag:s30], $0x1C00  }
0xa6: {  	[sflag:s30] =	ssyncset.done $0x0  }
0xa7: {  	s15 =	rddreg [dreg:$0x3];
	[sflag:s30] =	ssyncadd.s32 $0xFFFFE400  }
0xa8: {  	[hbm4b:s7+s3] =	stream.linear.scatter [tilespmem:s22], [sflag:$0x6], $0x7000, $0x38;
	[tilespmem:$0x11B80] =	vst v63  }
0xa9: {  	s9 =	sadd.s32 s6, s15  }
0xaa: {  	[hbm4b:s9+s3] =	stream.linear.scatter [tilespmem:s23], [sflag:$0x8], $0x1C00, $0x38;
	[tilespmem:$0x11B80] =	vst v63  }
0xab: {  	_ =	swait.ge [sflag:s31], $0x7000  }
0xac: {  	[sflag:s31] =	ssyncset.done $0x0  }
0xad: {  	[sflag:s31] =	ssyncadd.s32 $0xFFFF9000  }
0xae: {  	_ =	swait.ge [sflag:s0], $0x1C00  }
0xaf: {  	[sflag:s0] =	ssyncset.done $0x0  }
0xb0: {  	s10 =	rddreg [dreg:$0x5];
	[sflag:s0] =	ssyncadd.s32 $0xFFFFE400  }
0xb1: {  	[tilespmem:s19], [sflag:$0x9] =	stream.linear.gather [hbm4b:s10+s3], $0x1C0, $0x38;
	[tilespmem:$0x11B80] =	vst v63  }
0xb2: {  	_ =	swait.ge [sflag:s18], $0x1C0  }
0xb3: {  	[sflag:s18] =	ssyncset.done $0x0  }
0xb4: {  	[sflag:s18] =	ssyncadd.s32 $0xFFFFFE40  }
0xb5: {  	[tilespmem:s22], [sflag:$0x2] =	stream.indirect.gather [hbm4b:s2+s19], $0x40, s19, s19, $0xb8;
	[tilespmem:$0x11B80] =	vst v63  }
0xb6: {  	_ = 	snop  }
0xb7: {  	[tilespmem:s23], [sflag:$0x4] =	stream.indirect.gather [hbm4b:s4+s19], $0x10, s19, s19, $0xb8;
	[tilespmem:$0x11B80] =	vst v63  }
0xb8: {  	_ =	swait.ge [sflag:s24], $0x7000  }
0xb9: {  	[sflag:s24] =	ssyncset.done $0x0  }
0xba: {  	[sflag:s24] =	ssyncadd.s32 $0xFFFF9000  }
0xbb: {  	_ =	swait.ge [sflag:s25], $0x1C00  }
0xbc: {  	[sflag:s25] =	ssyncset.done $0x0  }
0xbd: {  	s11 =	rddreg [dreg:$0x6];
	[sflag:s25] =	ssyncadd.s32 $0xFFFFE400  }
0xbe: {  	[hbm4b:s11+s3] =	stream.linear.scatter [tilespmem:s20], [sflag:$0x5], $0x7000, $0x38;
	[tilespmem:$0x11B80] =	vst v63  }
0xbf: {  	s12 =	rddreg [dreg:$0x7]  }
0xc0: {  	[hbm4b:s12+s3] =	stream.linear.scatter [tilespmem:s21], [sflag:$0x7], $0x1C00, $0x38;
	[tilespmem:$0x11B80] =	vst v63  }
0xc1: {  	_ =	swait.ge [sflag:s29], $0x7000  }
0xc2: {  	[sflag:s29] =	ssyncset.done $0x0  }
0xc3: {  	[sflag:s29] =	ssyncadd.s32 $0xFFFF9000  }
0xc4: {  	_ =	swait.ge [sflag:s30], $0x1C00  }
0xc5: {  	[sflag:s30] =	ssyncset.done $0x0  }
0xc6: {  	s13 =	rddreg [dreg:$0x8];
	[sflag:s30] =	ssyncadd.s32 $0xFFFFE400  }
0xc7: {  	[hbm4b:s13+s3] =	stream.linear.scatter [tilespmem:s22], [sflag:$0x6], $0x7000, $0x38;
	[tilespmem:$0x11B80] =	vst v63  }
0xc8: {  	s14 =	rddreg [dreg:$0x9]  }
0xc9: {  	[hbm4b:s14+s3] =	stream.linear.scatter [tilespmem:s23], [sflag:$0x8], $0x1C00, $0x38;
	[tilespmem:$0x11B80] =	vst v63  }
0xca: {  	_ =	swait.ge [sflag:s26], $0x7000  }
0xcb: {  	[sflag:s26] =	ssyncset.done $0x0  }
0xcc: {  	[sflag:s26] =	ssyncadd.s32 $0xFFFF9000  }
0xcd: {  	_ =	swait.ge [sflag:s28], $0x1C00  }
0xce: {  	[sflag:s28] =	ssyncset.done $0x0  }
0xcf: {  	[sflag:s28] =	ssyncadd.s32 $0xFFFFE400  }
0xd0: {  	_ =	swait.ge [sflag:s31], $0x7000  }
0xd1: {  	[sflag:s31] =	ssyncset.done $0x0  }
0xd2: {  	[sflag:s31] =	ssyncadd.s32 $0xFFFF9000  }
0xd3: {  	_ =	swait.ge [sflag:s0], $0x1C00  }
0xd4: {  	s1 =	sadd.s32 $0x1, s1;
	s15 =	rddreg [dreg:$0xa]  }
0xd5: {  	p0 =	sne.s32 s1, s15  }
.Ltmp1:
0xd6: {  	_ = 	snop;
	(pc) =	sbr.rel @p0 .LBB2_1-.Ltmp1, $3  }
0xd7: {  	_ =	sdelay $0x1  }
0xd8: {  	[sflag:s0] =	ssyncset.done $0x0  }
0xd9: {  	[sflag:s0] =	ssyncadd.s32 $0xFFFFE400  }
0xda: {  	_ =	sfence.sel $0x180000  }
0xdb: {  	[bflag:$0x0] =	sbarrier.arrive $0xFFFF  }
0xdc: {  	_ =	strace $0x9000004A  }
0xdd: {  	s0 =	stileid.u32;
	[bflag:$0x2] =	sbarrier.arrive $0xFFFF  }
0xde: {  	p0 =	sne.s32 s0, $0x0;
	s0 =	rddreg [dreg:$0x2]  }
0xdf: {  	s0 =	sadd.s32 @!p0 $0x100000, s0  }
0xe0: {  	[sflag:s0] =	ssyncadd.tile.s32 @!p0 $0x1;
	_ =	shalt  }
.Lfunc_end2:
_tile_overlayer_lowered:
.L_overlay_start_2:
0xe1: {  	(tag) =	ssettag $0x2  }
0xe2: {  	s0 =	rddreg [dreg:$0x0];
	s2 =	stileid.u32  }
0xe3: {  	s1 =	rddreg [dreg:$0x1];
	p0 =	sne.s32 s2, $0x0  }
0xe4: {  	s3 =	rddreg [dreg:$0x2];
	[bflag:$0x3] =	sbarrier.arrive $0xFFFF;
	s2 =	simm.s32 @!p0 $0x1C09  }
0xe5: {  	[timem:s3], [sflag:s2] =	dma.local @!p0 [hbm:s0], s1  }
0xe6: {  	s0 =	simm.s32 @!p0 $0x9  }
0xe7: {  	_ =	swait.ge @!p0 [sflag:s0], s1  }
0xe8: {  	s1 =	ssub.s32 @!p0 $0x0, s1;
	[sflag:s0] =	ssyncset.done @!p0 $0x0  }
0xe9: {  	[sflag:s0] =	ssyncadd.s32 @!p0 s1  }
0xea: {  	[bflag:$0x3] =	sbarrier.arrive $0xFFFF  }
0xeb: {  	_ =	shalt  }

</sc_bundles>
